<compile_context>
chip_gen: v7x
topology: tpu7x:2x2x1
jax: 0.10.2.dev20260603
libtpu: 0.0.44.dev20260713+nightly
codegen_flags: <defaults>
</compile_context>

<pallas_src>
import functools

import jax
import jax.numpy as jnp
from jax import lax
from jax.experimental import pallas as pl
from jax.experimental.pallas import tpu as pltpu
from jax.experimental.pallas import tpu_sc as plsc

K = 8192
NB = 2 * K
HW = 512 * 512
NT = 32
CH = 8192
UNROLL = 8


def _sc_hist(pred_flat, lab_flat):
    mesh = plsc.VectorSubcoreMesh(core_axis_name="c", subcore_axis_name="s")

    @functools.partial(
        pl.kernel,
        mesh=mesh,
        out_type=jax.ShapeDtypeStruct((NT * NB,), jnp.float32),
        scratch_types=[
            pltpu.VMEM((CH,), jnp.float32),
            pltpu.VMEM((CH,), jnp.int32),
            pltpu.VMEM((NB,), jnp.float32),
        ],
        compiler_params=pltpu.CompilerParams(needs_layout_passes=False),
    )
    def hist_kernel(pred_hbm, lab_hbm, cnt_hbm, pred_v, lab_v, cnt_v):
        wid = lax.axis_index("s") * 2 + lax.axis_index("c")
        b = wid // 8
        c = wid % 8

        zeros16 = jnp.zeros((16,), jnp.float32)

        def zero_loop(i, carry):
            cnt_v[pl.ds(i * 16, 16)] = zeros16
            return carry

        lax.fori_loop(0, NB // 16, zero_loop, 0)

        ones16 = jnp.ones((16,), jnp.float32)

        def chunk_loop(g, carry):
            pltpu.sync_copy(pred_hbm.at[pl.ds(wid * HW + g * CH, CH)], pred_v)
            pltpu.sync_copy(lab_hbm.at[pl.ds(b * HW + g * CH, CH)], lab_v)

            def vec_loop(i, inner):
                base = i * (16 * UNROLL)
                for u in range(UNROLL):
                    pv = pred_v[pl.ds(base + u * 16, 16)]
                    lv = lab_v[pl.ds(base + u * 16, 16)]
                    ispos = lv == c
                    gtf = jnp.where(ispos, 1.0, 0.0).astype(jnp.float32)
                    e = jnp.abs(gtf - pv)
                    q = jnp.minimum((e * float(K)).astype(jnp.int32), K - 1)
                    j = jnp.where(ispos, q + K, q)
                    plsc.addupdate_scatter(cnt_v, [j], ones16)
                return inner

            lax.fori_loop(0, CH // (16 * UNROLL), vec_loop, 0)
            return carry

        lax.fori_loop(0, HW // CH, chunk_loop, 0)

        pltpu.sync_copy(cnt_v, cnt_hbm.at[pl.ds(wid * NB, NB)])

    return hist_kernel(pred_flat, lab_flat)


def _tc_merge(cnt):
    def body(cnt_ref, out_ref):
        cm = cnt_ref[0:8] + cnt_ref[8:16] + cnt_ref[16:24] + cnt_ref[24:32]
        cntN = cm[:, :K]
        cntP = cm[:, K:]
        mid = (
            lax.broadcasted_iota(jnp.int32, (8, K), 1).astype(jnp.float32) + 0.5
        ) * (1.0 / K)
        sumEN = cntN * mid
        sumEP = cntP * mid

        def cumsum_lanes(x):
            sh = 1
            while sh < K:
                x = x + jnp.concatenate(
                    [jnp.zeros((8, sh), jnp.float32), x[:, : K - sh]], axis=1
                )
                sh *= 2
            return x

        IP = cumsum_lanes(cntP)
        IN = cumsum_lanes(cntN)
        G = IP[:, K - 1 : K]
        totN = IN[:, K - 1 : K]
        A = totN - IN
        U1 = G + A
        U2 = U1 + cntN
        IPx = IP - cntP
        t1 = sumEP / jnp.maximum(U1, 1.0)
        t2 = sumEN * IPx / jnp.maximum(U1 * U2, 1.0)
        loss = jnp.sum(t1 + t2, axis=1, keepdims=True)
        pres = (G > 0.0).astype(jnp.float32)
        num = jnp.sum(loss * pres)
        den = jnp.sum(pres)
        out_ref[...] = jnp.reshape(num / den, (1, 1))

    return pl.pallas_call(
        body,
        out_shape=jax.ShapeDtypeStruct((1, 1), jnp.float32),
    )(cnt)


def kernel(prediction, target):
    pred_flat = prediction.reshape(-1)
    lab_flat = target.reshape(-1).astype(jnp.int32)
    cnt = _sc_hist(pred_flat, lab_flat)
    out = _tc_merge(cnt.reshape(NT, NB))
    return out[0, 0]

# --- scband reference (transcript-rebuilt; emitter-appended) ---
"""Pipeline reference for scband-lovasz-loss-970662609379 (READ-ONLY COPY).

The authoritative reference and input builder live on the scoring server;
editing this copy changes nothing except your own understanding.
"""

import jax, jax.numpy as jnp
import numpy as np


def lovasz_grad(gt_sorted):
    gts = gt_sorted.sum()
    intersection = gts - jnp.cumsum(gt_sorted.astype(jnp.float32), axis=0)
    union = gts + jnp.cumsum(1.0 - gt_sorted.astype(jnp.float32), axis=0)
    jaccard = 1.0 - intersection / union
    p = gt_sorted.shape[0]
    if p > 1:
        jaccard = jaccard.at[1:p].set(jaccard[1:p] - jaccard[0:p - 1])
    return jaccard


def setup_inputs(seed: int = 0) -> dict:
    key = jax.random.key(seed)
    k1, k2 = jax.random.split(key)
    prediction = jax.random.uniform(k1, (4, 8, 512, 512), dtype=jnp.float32)
    target = jax.random.randint(k2, (4, 512, 512), 0, 8)
    return {"prediction": prediction, "target": target}


def reference(prediction, target):
    # flatten: [B, C, H, W] -> [B*H*W, C], labels -> [B*H*W]
    C = prediction.shape[1]
    probas = jnp.transpose(prediction, (0, 2, 3, 1)).reshape(-1, C)
    labels = target.reshape(-1)
    per_class_losses = []
    per_class_present = []
    for c in range(C):
        gt_at_class = (labels == c).astype(jnp.float32)
        # ignore_missing_classes=True: skip absent classes via a presence mask
        present = (gt_at_class.sum() > 0).astype(jnp.float32)
        class_pred = probas[:, c]
        errors = jnp.abs(gt_at_class - class_pred)
        perm = jnp.argsort(-errors)  # descending sort
        errors_sorted = errors[perm]
        grad = lovasz_grad(gt_at_class[perm])
        class_loss = jnp.dot(errors_sorted, grad)
        per_class_losses.append(class_loss * present)
        per_class_present.append(present)
    losses = jnp.stack(per_class_losses)
    presents = jnp.stack(per_class_present)
    return jnp.sum(losses, axis=0) / jnp.sum(presents, axis=0)

if __name__ == "__main__":
    import jax
    _d = setup_inputs()
    print(jax.jit(kernel)(*tuple(_d.values())))

</pallas_src>

<mosaic_0001>
#map = affine_map<(d0, d1) -> (0)>
module attributes {stable_mosaic.version = 14 : i64} {
  func.func @hist_kernel(%arg0: i32, %arg1: i32, %arg2: memref<8388608xf32, #tpu.memory_space<hbm>>, %arg3: memref<1048576xi32, #tpu.memory_space<hbm>>, %arg4: memref<524288xf32, #tpu.memory_space<hbm>>, %arg5: memref<8192xf32, #tpu.memory_space<vmem>>, %arg6: memref<8192xi32, #tpu.memory_space<vmem>>, %arg7: memref<16384xf32, #tpu.memory_space<vmem>>) attributes {dimension_semantics = [#tpu.dimension_semantics<core_parallel>, #tpu.dimension_semantics<subcore_parallel>], iteration_bounds = array<i64: 2, 16>, scalar_prefetch = 0 : i64, scratch_operands = 3 : i64, tpu.core_type = #tpu.core_type<sc_vector_subcore>, window_params = [{transform_indices = #map}, {transform_indices = #map}, {transform_indices = #map}]} {
    %mul3A = arith.constant 2 : i32
    %mul3A_0 = arith.muli %arg1, %mul3A : i32
    %add3A = arith.addi %mul3A_0, %arg0 : i32
    %jit3A = arith.constant 8 : i32
    %div3A = arith.divsi %add3A, %jit3A : i32
    %sign3A = arith.constant 0 : i32
    %sign3A_1 = arith.cmpi sgt, %add3A, %sign3A : i32
    %sign3A_2 = arith.extui %sign3A_1 : i1 to i32
    %sign3A_3 = arith.constant 0 : i32
    %sign3A_4 = arith.cmpi slt, %add3A, %sign3A_3 : i32
    %sign3A_5 = arith.extui %sign3A_4 : i1 to i32
    %sign3A_6 = arith.subi %sign3A_2, %sign3A_5 : i32
    %sign3A_7 = arith.constant 0 : i32
    %sign3A_8 = arith.cmpi sgt, %jit3A, %sign3A_7 : i32
    %sign3A_9 = arith.extui %sign3A_8 : i1 to i32
    %sign3A_10 = arith.constant 0 : i32
    %sign3A_11 = arith.cmpi slt, %jit3A, %sign3A_10 : i32
    %sign3A_12 = arith.extui %sign3A_11 : i1 to i32
    %sign3A_13 = arith.subi %sign3A_9, %sign3A_12 : i32
    %ne3A = arith.cmpi ne, %sign3A_6, %sign3A_13 : i32
    %rem3A = arith.remsi %add3A, %jit3A : i32
    %ne3A_14 = arith.constant 0 : i32
    %ne3A_15 = arith.cmpi ne, %rem3A, %ne3A_14 : i32
    %and3A = arith.andi %ne3A, %ne3A_15 : i1
    %sub3A = arith.constant 1 : i32
    %sub3A_16 = arith.subi %div3A, %sub3A : i32
    %select_n3A = arith.select %and3A, %sub3A_16, %div3A : i32
    %jit3A_17 = arith.constant 8 : i32
    %eq3A = arith.constant 0 : i32
    %eq3A_18 = arith.cmpi eq, %jit3A_17, %eq3A : i32
    %jit3A_19 = arith.constant 1 : i32
    %select_n3A_20 = arith.select %eq3A_18, %jit3A_19, %jit3A_17 : i32
    %rem3A_21 = arith.remsi %add3A, %select_n3A_20 : i32
    %ne3A_22 = arith.constant 0 : i32
    %ne3A_23 = arith.cmpi ne, %rem3A_21, %ne3A_22 : i32
    %lt3A = arith.constant 0 : i32
    %lt3A_24 = arith.cmpi slt, %rem3A_21, %lt3A : i32
    %lt3A_25 = arith.constant 0 : i32
    %lt3A_26 = arith.cmpi slt, %select_n3A_20, %lt3A_25 : i32
    %ne3A_27 = arith.xori %lt3A_24, %lt3A_26 : i1
    %and3A_28 = arith.andi %ne3A_27, %ne3A_23 : i1
    %add3A_29 = arith.addi %rem3A_21, %select_n3A_20 : i32
    %select_n3A_30 = arith.select %and3A_28, %add3A_29, %rem3A_21 : i32
    %broadcast_in_dim3A = arith.constant 0.000000e+00 : f32
    %broadcast_in_dim3A_31 = vector.broadcast %broadcast_in_dim3A : f32 to vector<16xf32>
    %scan3A = arith.constant 0 : i32
    %scan3A_32 = arith.constant 0 : i32
    %scan3A_33 = arith.constant 1024 : i32
    %scan3A_34 = arith.addi %scan3A_32, %scan3A_33 : i32
    %scan3A_35 = arith.constant 1 : i32
    scf.for %scan3A_47 = %scan3A_32 to %scan3A_34 step %scan3A_35  : i32 {
      %mul3A_48 = arith.constant 16 : i32
      %mul3A_49 = arith.muli %scan3A_47, %mul3A_48 : i32
      %swap3A = arith.index_cast %mul3A_49 : i32 to index
      %swap3A_50 = tpu.vector_load %arg7[%swap3A] {strides = array<i32>} : memref<16384xf32, #tpu.memory_space<vmem>>, vector<16xf32>,
      tpu.vector_store %arg7[%swap3A], %broadcast_in_dim3A_31 {strides = array<i32>} : memref<16384xf32, #tpu.memory_space<vmem>>, vector<16xf32>,
    }
    %scan3A_36 = arith.constant 1024 : i32
    %broadcast_in_dim3A_37 = arith.constant 1.000000e+00 : f32
    %broadcast_in_dim3A_38 = vector.broadcast %broadcast_in_dim3A_37 : f32 to vector<16xf32>
    %scan3A_39 = arith.constant 0 : i32
    %scan3A_40 = arith.constant 0 : i32
    %scan3A_41 = arith.constant 32 : i32
    %scan3A_42 = arith.addi %scan3A_40, %scan3A_41 : i32
    %scan3A_43 = arith.constant 1 : i32
    scf.for %scan3A_47 = %scan3A_40 to %scan3A_42 step %scan3A_43  : i32 {
      %mul3A_48 = arith.constant 262144 : i32
      %mul3A_49 = arith.muli %add3A, %mul3A_48 : i32
      %mul3A_50 = arith.constant 8192 : i32
      %mul3A_51 = arith.muli %scan3A_47, %mul3A_50 : i32
      %add3A_52 = arith.addi %mul3A_49, %mul3A_51 : i32
      "tpu.region"() ({
        %run_scoped3A = tpu.sem_alloc : memref<!tpu.dma_semaphore, #tpu.memory_space<semaphore_mem>>
        %dma_start3A = tpu.memref_slice %arg2[%add3A_52] : memref<8388608xf32, #tpu.memory_space<hbm>> -> memref<8192xf32, #tpu.memory_space<hbm>>
        %dma_start3A_64 = tpu.memref_slice %arg2[%add3A_52] : memref<8388608xf32, #tpu.memory_space<hbm>> -> memref<8192xf32, #tpu.memory_space<hbm>>
        tpu.enqueue_dma source(%dma_start3A_64 : memref<8192xf32, #tpu.memory_space<hbm>>) target(%arg5 : memref<8192xf32, #tpu.memory_space<vmem>>) target_semaphore(%run_scoped3A : memref<!tpu.dma_semaphore, #tpu.memory_space<semaphore_mem>>)
        %dma_wait3A = tpu.memref_slice %arg2[%add3A_52] : memref<8388608xf32, #tpu.memory_space<hbm>> -> memref<8192xf32, #tpu.memory_space<hbm>>
        %dma_wait3A_65 = tpu.memref_slice %arg2[%add3A_52] : memref<8388608xf32, #tpu.memory_space<hbm>> -> memref<8192xf32, #tpu.memory_space<hbm>>
        tpu.wait_dma2 semaphore(%run_scoped3A : memref<!tpu.dma_semaphore, #tpu.memory_space<semaphore_mem>>) src(%dma_wait3A_65 : memref<8192xf32, #tpu.memory_space<hbm>>) dst(%arg5 : memref<8192xf32, #tpu.memory_space<vmem>>)
        tpu.yield
      }) : () -> ()
      %mul3A_53 = arith.constant 262144 : i32
      %mul3A_54 = arith.muli %select_n3A, %mul3A_53 : i32
      %mul3A_55 = arith.constant 8192 : i32
      %mul3A_56 = arith.muli %scan3A_47, %mul3A_55 : i32
      %add3A_57 = arith.addi %mul3A_54, %mul3A_56 : i32
      "tpu.region"() ({
        %run_scoped3A = tpu.sem_alloc : memref<!tpu.dma_semaphore, #tpu.memory_space<semaphore_mem>>
        %dma_start3A = tpu.memref_slice %arg3[%add3A_57] : memref<1048576xi32, #tpu.memory_space<hbm>> -> memref<8192xi32, #tpu.memory_space<hbm>>
        %dma_start3A_64 = tpu.memref_slice %arg3[%add3A_57] : memref<1048576xi32, #tpu.memory_space<hbm>> -> memref<8192xi32, #tpu.memory_space<hbm>>
        tpu.enqueue_dma source(%dma_start3A_64 : memref<8192xi32, #tpu.memory_space<hbm>>) target(%arg6 : memref<8192xi32, #tpu.memory_space<vmem>>) target_semaphore(%run_scoped3A : memref<!tpu.dma_semaphore, #tpu.memory_space<semaphore_mem>>)
        %dma_wait3A = tpu.memref_slice %arg3[%add3A_57] : memref<1048576xi32, #tpu.memory_space<hbm>> -> memref<8192xi32, #tpu.memory_space<hbm>>
        %dma_wait3A_65 = tpu.memref_slice %arg3[%add3A_57] : memref<1048576xi32, #tpu.memory_space<hbm>> -> memref<8192xi32, #tpu.memory_space<hbm>>
        tpu.wait_dma2 semaphore(%run_scoped3A : memref<!tpu.dma_semaphore, #tpu.memory_space<semaphore_mem>>) src(%dma_wait3A_65 : memref<8192xi32, #tpu.memory_space<hbm>>) dst(%arg6 : memref<8192xi32, #tpu.memory_space<vmem>>)
        tpu.yield
      }) : () -> ()
      %scan3A_58 = arith.constant 0 : i32
      %scan3A_59 = arith.constant 0 : i32
      %scan3A_60 = arith.constant 64 : i32
      %scan3A_61 = arith.addi %scan3A_59, %scan3A_60 : i32
      %scan3A_62 = arith.constant 1 : i32
      scf.for %scan3A_64 = %scan3A_59 to %scan3A_61 step %scan3A_62  : i32 {
        %mul3A_65 = arith.constant 128 : i32
        %mul3A_66 = arith.muli %scan3A_64, %mul3A_65 : i32
        %add3A_67 = arith.constant 0 : i32
        %add3A_68 = arith.addi %mul3A_66, %add3A_67 : i32
        %get3A = arith.index_cast %add3A_68 : i32 to index
        %get3A_69 = tpu.vector_load %arg5[%get3A] {strides = array<i32>} : memref<8192xf32, #tpu.memory_space<vmem>>, vector<16xf32>,
        %add3A_70 = arith.constant 0 : i32
        %add3A_71 = arith.addi %mul3A_66, %add3A_70 : i32
        %get3A_72 = arith.index_cast %add3A_71 : i32 to index
        %get3A_73 = tpu.vector_load %arg6[%get3A_72] {strides = array<i32>} : memref<8192xi32, #tpu.memory_space<vmem>>, vector<16xi32>,
        %eq3A_74 = vector.broadcast %select_n3A_30 : i32 to vector<16xi32>
        %eq3A_75 = arith.cmpi eq, %get3A_73, %eq3A_74 : vector<16xi32>
        %jit3A_76 = arith.constant 1.000000e+00 : f32
        %jit3A_77 = arith.constant 0.000000e+00 : f32
        %broadcast_in_dim3A_78 = vector.broadcast %jit3A_76 : f32 to vector<16xf32>
        %broadcast_in_dim3A_79 = vector.broadcast %jit3A_77 : f32 to vector<16xf32>
        %select_n3A_80 = arith.select %eq3A_75, %broadcast_in_dim3A_78, %broadcast_in_dim3A_79 : vector<16xi1>, vector<16xf32>
        %sub3A_81 = arith.subf %select_n3A_80, %get3A_69 : vector<16xf32>
        %abs3A = math.absf %sub3A_81 : vector<16xf32>
        %mul3A_82 = arith.constant 8.192000e+03 : f32
        %mul3A_83 = vector.broadcast %mul3A_82 : f32 to vector<16xf32>
        %mul3A_84 = arith.mulf %abs3A, %mul3A_83 : vector<16xf32>
        %convert_element_type3A = arith.fptosi %mul3A_84 : vector<16xf32> to vector<16xi32>
        %min3A = arith.constant 8191 : i32
        %min3A_85 = vector.broadcast %min3A : i32 to vector<16xi32>
        %min3A_86 = arith.minsi %convert_element_type3A, %min3A_85 : vector<16xi32>
        %add3A_87 = arith.constant 8192 : i32
        %add3A_88 = vector.broadcast %add3A_87 : i32 to vector<16xi32>
        %add3A_89 = arith.addi %min3A_86, %add3A_88 : vector<16xi32>
        %select_n3A_90 = arith.select %eq3A_75, %add3A_89, %min3A_86 : vector<16xi1>, vector<16xi32>
        tpu.vector_store_idx %arg7[%select_n3A_90], %broadcast_in_dim3A_38 {add = true} : memref<16384xf32, #tpu.memory_space<vmem>>[vector<16xi32>], vector<16xf32>,
        %add3A_91 = arith.constant 16 : i32
        %add3A_92 = arith.addi %mul3A_66, %add3A_91 : i32
        %get3A_93 = arith.index_cast %add3A_92 : i32 to index
        %get3A_94 = tpu.vector_load %arg5[%get3A_93] {strides = array<i32>} : memref<8192xf32, #tpu.memory_space<vmem>>, vector<16xf32>,
        %add3A_95 = arith.constant 16 : i32
        %add3A_96 = arith.addi %mul3A_66, %add3A_95 : i32
        %get3A_97 = arith.index_cast %add3A_96 : i32 to index
        %get3A_98 = tpu.vector_load %arg6[%get3A_97] {strides = array<i32>} : memref<8192xi32, #tpu.memory_space<vmem>>, vector<16xi32>,
        %eq3A_99 = vector.broadcast %select_n3A_30 : i32 to vector<16xi32>
        %eq3A_100 = arith.cmpi eq, %get3A_98, %eq3A_99 : vector<16xi32>
        %jit3A_101 = arith.constant 1.000000e+00 : f32
        %jit3A_102 = arith.constant 0.000000e+00 : f32
        %broadcast_in_dim3A_103 = vector.broadcast %jit3A_101 : f32 to vector<16xf32>
        %broadcast_in_dim3A_104 = vector.broadcast %jit3A_102 : f32 to vector<16xf32>
        %select_n3A_105 = arith.select %eq3A_100, %broadcast_in_dim3A_103, %broadcast_in_dim3A_104 : vector<16xi1>, vector<16xf32>
        %sub3A_106 = arith.subf %select_n3A_105, %get3A_94 : vector<16xf32>
        %abs3A_107 = math.absf %sub3A_106 : vector<16xf32>
        %mul3A_108 = arith.constant 8.192000e+03 : f32
        %mul3A_109 = vector.broadcast %mul3A_108 : f32 to vector<16xf32>
        %mul3A_110 = arith.mulf %abs3A_107, %mul3A_109 : vector<16xf32>
        %convert_element_type3A_111 = arith.fptosi %mul3A_110 : vector<16xf32> to vector<16xi32>
        %min3A_112 = arith.constant 8191 : i32
        %min3A_113 = vector.broadcast %min3A_112 : i32 to vector<16xi32>
        %min3A_114 = arith.minsi %convert_element_type3A_111, %min3A_113 : vector<16xi32>
        %add3A_115 = arith.constant 8192 : i32
        %add3A_116 = vector.broadcast %add3A_115 : i32 to vector<16xi32>
        %add3A_117 = arith.addi %min3A_114, %add3A_116 : vector<16xi32>
        %select_n3A_118 = arith.select %eq3A_100, %add3A_117, %min3A_114 : vector<16xi1>, vector<16xi32>
        tpu.vector_store_idx %arg7[%select_n3A_118], %broadcast_in_dim3A_38 {add = true} : memref<16384xf32, #tpu.memory_space<vmem>>[vector<16xi32>], vector<16xf32>,
        %add3A_119 = arith.constant 32 : i32
        %add3A_120 = arith.addi %mul3A_66, %add3A_119 : i32
        %get3A_121 = arith.index_cast %add3A_120 : i32 to index
        %get3A_122 = tpu.vector_load %arg5[%get3A_121] {strides = array<i32>} : memref<8192xf32, #tpu.memory_space<vmem>>, vector<16xf32>,
        %add3A_123 = arith.constant 32 : i32
        %add3A_124 = arith.addi %mul3A_66, %add3A_123 : i32
        %get3A_125 = arith.index_cast %add3A_124 : i32 to index
        %get3A_126 = tpu.vector_load %arg6[%get3A_125] {strides = array<i32>} : memref<8192xi32, #tpu.memory_space<vmem>>, vector<16xi32>,
        %eq3A_127 = vector.broadcast %select_n3A_30 : i32 to vector<16xi32>
        %eq3A_128 = arith.cmpi eq, %get3A_126, %eq3A_127 : vector<16xi32>
        %jit3A_129 = arith.constant 1.000000e+00 : f32
        %jit3A_130 = arith.constant 0.000000e+00 : f32
        %broadcast_in_dim3A_131 = vector.broadcast %jit3A_129 : f32 to vector<16xf32>
        %broadcast_in_dim3A_132 = vector.broadcast %jit3A_130 : f32 to vector<16xf32>
        %select_n3A_133 = arith.select %eq3A_128, %broadcast_in_dim3A_131, %broadcast_in_dim3A_132 : vector<16xi1>, vector<16xf32>
        %sub3A_134 = arith.subf %select_n3A_133, %get3A_122 : vector<16xf32>
        %abs3A_135 = math.absf %sub3A_134 : vector<16xf32>
        %mul3A_136 = arith.constant 8.192000e+03 : f32
        %mul3A_137 = vector.broadcast %mul3A_136 : f32 to vector<16xf32>
        %mul3A_138 = arith.mulf %abs3A_135, %mul3A_137 : vector<16xf32>
        %convert_element_type3A_139 = arith.fptosi %mul3A_138 : vector<16xf32> to vector<16xi32>
        %min3A_140 = arith.constant 8191 : i32
        %min3A_141 = vector.broadcast %min3A_140 : i32 to vector<16xi32>
        %min3A_142 = arith.minsi %convert_element_type3A_139, %min3A_141 : vector<16xi32>
        %add3A_143 = arith.constant 8192 : i32
        %add3A_144 = vector.broadcast %add3A_143 : i32 to vector<16xi32>
        %add3A_145 = arith.addi %min3A_142, %add3A_144 : vector<16xi32>
        %select_n3A_146 = arith.select %eq3A_128, %add3A_145, %min3A_142 : vector<16xi1>, vector<16xi32>
        tpu.vector_store_idx %arg7[%select_n3A_146], %broadcast_in_dim3A_38 {add = true} : memref<16384xf32, #tpu.memory_space<vmem>>[vector<16xi32>], vector<16xf32>,
        %add3A_147 = arith.constant 48 : i32
        %add3A_148 = arith.addi %mul3A_66, %add3A_147 : i32
        %get3A_149 = arith.index_cast %add3A_148 : i32 to index
        %get3A_150 = tpu.vector_load %arg5[%get3A_149] {strides = array<i32>} : memref<8192xf32, #tpu.memory_space<vmem>>, vector<16xf32>,
        %add3A_151 = arith.constant 48 : i32
        %add3A_152 = arith.addi %mul3A_66, %add3A_151 : i32
        %get3A_153 = arith.index_cast %add3A_152 : i32 to index
        %get3A_154 = tpu.vector_load %arg6[%get3A_153] {strides = array<i32>} : memref<8192xi32, #tpu.memory_space<vmem>>, vector<16xi32>,
        %eq3A_155 = vector.broadcast %select_n3A_30 : i32 to vector<16xi32>
        %eq3A_156 = arith.cmpi eq, %get3A_154, %eq3A_155 : vector<16xi32>
        %jit3A_157 = arith.constant 1.000000e+00 : f32
        %jit3A_158 = arith.constant 0.000000e+00 : f32
        %broadcast_in_dim3A_159 = vector.broadcast %jit3A_157 : f32 to vector<16xf32>
        %broadcast_in_dim3A_160 = vector.broadcast %jit3A_158 : f32 to vector<16xf32>
        %select_n3A_161 = arith.select %eq3A_156, %broadcast_in_dim3A_159, %broadcast_in_dim3A_160 : vector<16xi1>, vector<16xf32>
        %sub3A_162 = arith.subf %select_n3A_161, %get3A_150 : vector<16xf32>
        %abs3A_163 = math.absf %sub3A_162 : vector<16xf32>
        %mul3A_164 = arith.constant 8.192000e+03 : f32
        %mul3A_165 = vector.broadcast %mul3A_164 : f32 to vector<16xf32>
        %mul3A_166 = arith.mulf %abs3A_163, %mul3A_165 : vector<16xf32>
        %convert_element_type3A_167 = arith.fptosi %mul3A_166 : vector<16xf32> to vector<16xi32>
        %min3A_168 = arith.constant 8191 : i32
        %min3A_169 = vector.broadcast %min3A_168 : i32 to vector<16xi32>
        %min3A_170 = arith.minsi %convert_element_type3A_167, %min3A_169 : vector<16xi32>
        %add3A_171 = arith.constant 8192 : i32
        %add3A_172 = vector.broadcast %add3A_171 : i32 to vector<16xi32>
        %add3A_173 = arith.addi %min3A_170, %add3A_172 : vector<16xi32>
        %select_n3A_174 = arith.select %eq3A_156, %add3A_173, %min3A_170 : vector<16xi1>, vector<16xi32>
        tpu.vector_store_idx %arg7[%select_n3A_174], %broadcast_in_dim3A_38 {add = true} : memref<16384xf32, #tpu.memory_space<vmem>>[vector<16xi32>], vector<16xf32>,
        %add3A_175 = arith.constant 64 : i32
        %add3A_176 = arith.addi %mul3A_66, %add3A_175 : i32
        %get3A_177 = arith.index_cast %add3A_176 : i32 to index
        %get3A_178 = tpu.vector_load %arg5[%get3A_177] {strides = array<i32>} : memref<8192xf32, #tpu.memory_space<vmem>>, vector<16xf32>,
        %add3A_179 = arith.constant 64 : i32
        %add3A_180 = arith.addi %mul3A_66, %add3A_179 : i32
        %get3A_181 = arith.index_cast %add3A_180 : i32 to index
        %get3A_182 = tpu.vector_load %arg6[%get3A_181] {strides = array<i32>} : memref<8192xi32, #tpu.memory_space<vmem>>, vector<16xi32>,
        %eq3A_183 = vector.broadcast %select_n3A_30 : i32 to vector<16xi32>
        %eq3A_184 = arith.cmpi eq, %get3A_182, %eq3A_183 : vector<16xi32>
        %jit3A_185 = arith.constant 1.000000e+00 : f32
        %jit3A_186 = arith.constant 0.000000e+00 : f32
        %broadcast_in_dim3A_187 = vector.broadcast %jit3A_185 : f32 to vector<16xf32>
        %broadcast_in_dim3A_188 = vector.broadcast %jit3A_186 : f32 to vector<16xf32>
        %select_n3A_189 = arith.select %eq3A_184, %broadcast_in_dim3A_187, %broadcast_in_dim3A_188 : vector<16xi1>, vector<16xf32>
        %sub3A_190 = arith.subf %select_n3A_189, %get3A_178 : vector<16xf32>
        %abs3A_191 = math.absf %sub3A_190 : vector<16xf32>
        %mul3A_192 = arith.constant 8.192000e+03 : f32
        %mul3A_193 = vector.broadcast %mul3A_192 : f32 to vector<16xf32>
        %mul3A_194 = arith.mulf %abs3A_191, %mul3A_193 : vector<16xf32>
        %convert_element_type3A_195 = arith.fptosi %mul3A_194 : vector<16xf32> to vector<16xi32>
        %min3A_196 = arith.constant 8191 : i32
        %min3A_197 = vector.broadcast %min3A_196 : i32 to vector<16xi32>
        %min3A_198 = arith.minsi %convert_element_type3A_195, %min3A_197 : vector<16xi32>
        %add3A_199 = arith.constant 8192 : i32
        %add3A_200 = vector.broadcast %add3A_199 : i32 to vector<16xi32>
        %add3A_201 = arith.addi %min3A_198, %add3A_200 : vector<16xi32>
        %select_n3A_202 = arith.select %eq3A_184, %add3A_201, %min3A_198 : vector<16xi1>, vector<16xi32>
        tpu.vector_store_idx %arg7[%select_n3A_202], %broadcast_in_dim3A_38 {add = true} : memref<16384xf32, #tpu.memory_space<vmem>>[vector<16xi32>], vector<16xf32>,
        %add3A_203 = arith.constant 80 : i32
        %add3A_204 = arith.addi %mul3A_66, %add3A_203 : i32
        %get3A_205 = arith.index_cast %add3A_204 : i32 to index
        %get3A_206 = tpu.vector_load %arg5[%get3A_205] {strides = array<i32>} : memref<8192xf32, #tpu.memory_space<vmem>>, vector<16xf32>,
        %add3A_207 = arith.constant 80 : i32
        %add3A_208 = arith.addi %mul3A_66, %add3A_207 : i32
        %get3A_209 = arith.index_cast %add3A_208 : i32 to index
        %get3A_210 = tpu.vector_load %arg6[%get3A_209] {strides = array<i32>} : memref<8192xi32, #tpu.memory_space<vmem>>, vector<16xi32>,
        %eq3A_211 = vector.broadcast %select_n3A_30 : i32 to vector<16xi32>
        %eq3A_212 = arith.cmpi eq, %get3A_210, %eq3A_211 : vector<16xi32>
        %jit3A_213 = arith.constant 1.000000e+00 : f32
        %jit3A_214 = arith.constant 0.000000e+00 : f32
        %broadcast_in_dim3A_215 = vector.broadcast %jit3A_213 : f32 to vector<16xf32>
        %broadcast_in_dim3A_216 = vector.broadcast %jit3A_214 : f32 to vector<16xf32>
        %select_n3A_217 = arith.select %eq3A_212, %broadcast_in_dim3A_215, %broadcast_in_dim3A_216 : vector<16xi1>, vector<16xf32>
        %sub3A_218 = arith.subf %select_n3A_217, %get3A_206 : vector<16xf32>
        %abs3A_219 = math.absf %sub3A_218 : vector<16xf32>
        %mul3A_220 = arith.constant 8.192000e+03 : f32
        %mul3A_221 = vector.broadcast %mul3A_220 : f32 to vector<16xf32>
        %mul3A_222 = arith.mulf %abs3A_219, %mul3A_221 : vector<16xf32>
        %convert_element_type3A_223 = arith.fptosi %mul3A_222 : vector<16xf32> to vector<16xi32>
        %min3A_224 = arith.constant 8191 : i32
        %min3A_225 = vector.broadcast %min3A_224 : i32 to vector<16xi32>
        %min3A_226 = arith.minsi %convert_element_type3A_223, %min3A_225 : vector<16xi32>
        %add3A_227 = arith.constant 8192 : i32
        %add3A_228 = vector.broadcast %add3A_227 : i32 to vector<16xi32>
        %add3A_229 = arith.addi %min3A_226, %add3A_228 : vector<16xi32>
        %select_n3A_230 = arith.select %eq3A_212, %add3A_229, %min3A_226 : vector<16xi1>, vector<16xi32>
        tpu.vector_store_idx %arg7[%select_n3A_230], %broadcast_in_dim3A_38 {add = true} : memref<16384xf32, #tpu.memory_space<vmem>>[vector<16xi32>], vector<16xf32>,
        %add3A_231 = arith.constant 96 : i32
        %add3A_232 = arith.addi %mul3A_66, %add3A_231 : i32
        %get3A_233 = arith.index_cast %add3A_232 : i32 to index
        %get3A_234 = tpu.vector_load %arg5[%get3A_233] {strides = array<i32>} : memref<8192xf32, #tpu.memory_space<vmem>>, vector<16xf32>,
        %add3A_235 = arith.constant 96 : i32
        %add3A_236 = arith.addi %mul3A_66, %add3A_235 : i32
        %get3A_237 = arith.index_cast %add3A_236 : i32 to index
        %get3A_238 = tpu.vector_load %arg6[%get3A_237] {strides = array<i32>} : memref<8192xi32, #tpu.memory_space<vmem>>, vector<16xi32>,
        %eq3A_239 = vector.broadcast %select_n3A_30 : i32 to vector<16xi32>
        %eq3A_240 = arith.cmpi eq, %get3A_238, %eq3A_239 : vector<16xi32>
        %jit3A_241 = arith.constant 1.000000e+00 : f32
        %jit3A_242 = arith.constant 0.000000e+00 : f32
        %broadcast_in_dim3A_243 = vector.broadcast %jit3A_241 : f32 to vector<16xf32>
        %broadcast_in_dim3A_244 = vector.broadcast %jit3A_242 : f32 to vector<16xf32>
        %select_n3A_245 = arith.select %eq3A_240, %broadcast_in_dim3A_243, %broadcast_in_dim3A_244 : vector<16xi1>, vector<16xf32>
        %sub3A_246 = arith.subf %select_n3A_245, %get3A_234 : vector<16xf32>
        %abs3A_247 = math.absf %sub3A_246 : vector<16xf32>
        %mul3A_248 = arith.constant 8.192000e+03 : f32
        %mul3A_249 = vector.broadcast %mul3A_248 : f32 to vector<16xf32>
        %mul3A_250 = arith.mulf %abs3A_247, %mul3A_249 : vector<16xf32>
        %convert_element_type3A_251 = arith.fptosi %mul3A_250 : vector<16xf32> to vector<16xi32>
        %min3A_252 = arith.constant 8191 : i32
        %min3A_253 = vector.broadcast %min3A_252 : i32 to vector<16xi32>
        %min3A_254 = arith.minsi %convert_element_type3A_251, %min3A_253 : vector<16xi32>
        %add3A_255 = arith.constant 8192 : i32
        %add3A_256 = vector.broadcast %add3A_255 : i32 to vector<16xi32>
        %add3A_257 = arith.addi %min3A_254, %add3A_256 : vector<16xi32>
        %select_n3A_258 = arith.select %eq3A_240, %add3A_257, %min3A_254 : vector<16xi1>, vector<16xi32>
        tpu.vector_store_idx %arg7[%select_n3A_258], %broadcast_in_dim3A_38 {add = true} : memref<16384xf32, #tpu.memory_space<vmem>>[vector<16xi32>], vector<16xf32>,
        %add3A_259 = arith.constant 112 : i32
        %add3A_260 = arith.addi %mul3A_66, %add3A_259 : i32
        %get3A_261 = arith.index_cast %add3A_260 : i32 to index
        %get3A_262 = tpu.vector_load %arg5[%get3A_261] {strides = array<i32>} : memref<8192xf32, #tpu.memory_space<vmem>>, vector<16xf32>,
        %add3A_263 = arith.constant 112 : i32
        %add3A_264 = arith.addi %mul3A_66, %add3A_263 : i32
        %get3A_265 = arith.index_cast %add3A_264 : i32 to index
        %get3A_266 = tpu.vector_load %arg6[%get3A_265] {strides = array<i32>} : memref<8192xi32, #tpu.memory_space<vmem>>, vector<16xi32>,
        %eq3A_267 = vector.broadcast %select_n3A_30 : i32 to vector<16xi32>
        %eq3A_268 = arith.cmpi eq, %get3A_266, %eq3A_267 : vector<16xi32>
        %jit3A_269 = arith.constant 1.000000e+00 : f32
        %jit3A_270 = arith.constant 0.000000e+00 : f32
        %broadcast_in_dim3A_271 = vector.broadcast %jit3A_269 : f32 to vector<16xf32>
        %broadcast_in_dim3A_272 = vector.broadcast %jit3A_270 : f32 to vector<16xf32>
        %select_n3A_273 = arith.select %eq3A_268, %broadcast_in_dim3A_271, %broadcast_in_dim3A_272 : vector<16xi1>, vector<16xf32>
        %sub3A_274 = arith.subf %select_n3A_273, %get3A_262 : vector<16xf32>
        %abs3A_275 = math.absf %sub3A_274 : vector<16xf32>
        %mul3A_276 = arith.constant 8.192000e+03 : f32
        %mul3A_277 = vector.broadcast %mul3A_276 : f32 to vector<16xf32>
        %mul3A_278 = arith.mulf %abs3A_275, %mul3A_277 : vector<16xf32>
        %convert_element_type3A_279 = arith.fptosi %mul3A_278 : vector<16xf32> to vector<16xi32>
        %min3A_280 = arith.constant 8191 : i32
        %min3A_281 = vector.broadcast %min3A_280 : i32 to vector<16xi32>
        %min3A_282 = arith.minsi %convert_element_type3A_279, %min3A_281 : vector<16xi32>
        %add3A_283 = arith.constant 8192 : i32
        %add3A_284 = vector.broadcast %add3A_283 : i32 to vector<16xi32>
        %add3A_285 = arith.addi %min3A_282, %add3A_284 : vector<16xi32>
        %select_n3A_286 = arith.select %eq3A_268, %add3A_285, %min3A_282 : vector<16xi1>, vector<16xi32>
        tpu.vector_store_idx %arg7[%select_n3A_286], %broadcast_in_dim3A_38 {add = true} : memref<16384xf32, #tpu.memory_space<vmem>>[vector<16xi32>], vector<16xf32>,
      }
      %scan3A_63 = arith.constant 64 : i32
    }
    %scan3A_44 = arith.constant 32 : i32
    %mul3A_45 = arith.constant 16384 : i32
    %mul3A_46 = arith.muli %add3A, %mul3A_45 : i32
    "tpu.region"() ({
      %run_scoped3A = tpu.sem_alloc : memref<!tpu.dma_semaphore, #tpu.memory_space<semaphore_mem>>
      %dma_start3A = tpu.memref_slice %arg4[%mul3A_46] : memref<524288xf32, #tpu.memory_space<hbm>> -> memref<16384xf32, #tpu.memory_space<hbm>>
      %dma_start3A_47 = tpu.memref_slice %arg4[%mul3A_46] : memref<524288xf32, #tpu.memory_space<hbm>> -> memref<16384xf32, #tpu.memory_space<hbm>>
      tpu.enqueue_dma source(%arg7 : memref<16384xf32, #tpu.memory_space<vmem>>) target(%dma_start3A_47 : memref<16384xf32, #tpu.memory_space<hbm>>) target_semaphore(%run_scoped3A : memref<!tpu.dma_semaphore, #tpu.memory_space<semaphore_mem>>)
      %dma_wait3A = tpu.memref_slice %arg4[%mul3A_46] : memref<524288xf32, #tpu.memory_space<hbm>> -> memref<16384xf32, #tpu.memory_space<hbm>>
      %dma_wait3A_48 = tpu.memref_slice %arg4[%mul3A_46] : memref<524288xf32, #tpu.memory_space<hbm>> -> memref<16384xf32, #tpu.memory_space<hbm>>
      tpu.wait_dma2 semaphore(%run_scoped3A : memref<!tpu.dma_semaphore, #tpu.memory_space<semaphore_mem>>) src(%arg7 : memref<16384xf32, #tpu.memory_space<vmem>>) dst(%dma_wait3A_48 : memref<16384xf32, #tpu.memory_space<hbm>>)
      tpu.yield
    }) : () -> ()
    return
  }
}

module attributes {stable_mosaic.version = 14 : i64} {
  func.func @body(%arg0: memref<32x16384xf32, #tpu.memory_space<vmem>>, %arg1: memref<1x1xf32, #tpu.memory_space<vmem>>) attributes {dimension_semantics = [], scalar_prefetch = 0 : i64, scratch_operands = 0 : i64, tpu.core_type = #tpu.core_type<tc>} {
    %get3A = arith.constant 0 : index
    %get3A_0 = arith.constant 0 : index
    %get3A_1 = vector.load %arg0[%get3A, %get3A_0] : memref<32x16384xf32, #tpu.memory_space<vmem>>, vector<8x16384xf32>
    %get3A_2 = arith.constant 8 : index
    %get3A_3 = arith.constant 0 : index
    %get3A_4 = vector.load %arg0[%get3A_2, %get3A_3] : memref<32x16384xf32, #tpu.memory_space<vmem>>, vector<8x16384xf32>
    %add3A = arith.addf %get3A_1, %get3A_4 : vector<8x16384xf32>
    %get3A_5 = arith.constant 16 : index
    %get3A_6 = arith.constant 0 : index
    %get3A_7 = vector.load %arg0[%get3A_5, %get3A_6] : memref<32x16384xf32, #tpu.memory_space<vmem>>, vector<8x16384xf32>
    %add3A_8 = arith.addf %add3A, %get3A_7 : vector<8x16384xf32>
    %get3A_9 = arith.constant 24 : index
    %get3A_10 = arith.constant 0 : index
    %get3A_11 = vector.load %arg0[%get3A_9, %get3A_10] : memref<32x16384xf32, #tpu.memory_space<vmem>>, vector<8x16384xf32>
    %add3A_12 = arith.addf %add3A_8, %get3A_11 : vector<8x16384xf32>
    %slice3A = vector.extract_strided_slice %add3A_12 {offsets = [0, 0], sizes = [8, 8192], strides = [1, 1]} : vector<8x16384xf32> to vector<8x8192xf32>
    %slice3A_13 = vector.extract_strided_slice %add3A_12 {offsets = [0, 8192], sizes = [8, 8192], strides = [1, 1]} : vector<8x16384xf32> to vector<8x8192xf32>
    %iota3A = tpu.iota {dimensions = array<i32: 1>} : vector<8x8192xi32>
    %convert_element_type3A = arith.sitofp %iota3A : vector<8x8192xi32> to vector<8x8192xf32>
    %add3A_14 = arith.constant 5.000000e-01 : f32
    %add3A_15 = vector.broadcast %add3A_14 : f32 to vector<8x8192xf32>
    %add3A_16 = arith.addf %convert_element_type3A, %add3A_15 : vector<8x8192xf32>
    %mul3A = arith.constant 1.22070313E-4 : f32
    %mul3A_17 = vector.broadcast %mul3A : f32 to vector<8x8192xf32>
    %mul3A_18 = arith.mulf %add3A_16, %mul3A_17 : vector<8x8192xf32>
    %mul3A_19 = arith.mulf %slice3A, %mul3A_18 : vector<8x8192xf32>
    %mul3A_20 = arith.mulf %slice3A_13, %mul3A_18 : vector<8x8192xf32>
    %broadcast_in_dim3A = arith.constant 0.000000e+00 : f32
    %broadcast_in_dim3A_21 = vector.broadcast %broadcast_in_dim3A : f32 to vector<8x1xf32>
    %slice3A_22 = vector.extract_strided_slice %slice3A_13 {offsets = [0, 0], sizes = [8, 8191], strides = [1, 1]} : vector<8x8192xf32> to vector<8x8191xf32>
    %concatenate3A = tpu.concatenate %broadcast_in_dim3A_21, %slice3A_22 in 1 : vector<8x1xf32>, vector<8x8191xf32> -> vector<8x8192xf32>
    %add3A_23 = arith.addf %slice3A_13, %concatenate3A : vector<8x8192xf32>
    %broadcast_in_dim3A_24 = arith.constant 0.000000e+00 : f32
    %broadcast_in_dim3A_25 = vector.broadcast %broadcast_in_dim3A_24 : f32 to vector<8x2xf32>
    %slice3A_26 = vector.extract_strided_slice %add3A_23 {offsets = [0, 0], sizes = [8, 8190], strides = [1, 1]} : vector<8x8192xf32> to vector<8x8190xf32>
    %concatenate3A_27 = tpu.concatenate %broadcast_in_dim3A_25, %slice3A_26 in 1 : vector<8x2xf32>, vector<8x8190xf32> -> vector<8x8192xf32>
    %add3A_28 = arith.addf %add3A_23, %concatenate3A_27 : vector<8x8192xf32>
    %broadcast_in_dim3A_29 = arith.constant 0.000000e+00 : f32
    %broadcast_in_dim3A_30 = vector.broadcast %broadcast_in_dim3A_29 : f32 to vector<8x4xf32>
    %slice3A_31 = vector.extract_strided_slice %add3A_28 {offsets = [0, 0], sizes = [8, 8188], strides = [1, 1]} : vector<8x8192xf32> to vector<8x8188xf32>
    %concatenate3A_32 = tpu.concatenate %broadcast_in_dim3A_30, %slice3A_31 in 1 : vector<8x4xf32>, vector<8x8188xf32> -> vector<8x8192xf32>
    %add3A_33 = arith.addf %add3A_28, %concatenate3A_32 : vector<8x8192xf32>
    %broadcast_in_dim3A_34 = arith.constant 0.000000e+00 : f32
    %broadcast_in_dim3A_35 = vector.broadcast %broadcast_in_dim3A_34 : f32 to vector<8x8xf32>
    %slice3A_36 = vector.extract_strided_slice %add3A_33 {offsets = [0, 0], sizes = [8, 8184], strides = [1, 1]} : vector<8x8192xf32> to vector<8x8184xf32>
    %concatenate3A_37 = tpu.concatenate %broadcast_in_dim3A_35, %slice3A_36 in 1 : vector<8x8xf32>, vector<8x8184xf32> -> vector<8x8192xf32>
    %add3A_38 = arith.addf %add3A_33, %concatenate3A_37 : vector<8x8192xf32>
    %broadcast_in_dim3A_39 = arith.constant 0.000000e+00 : f32
    %broadcast_in_dim3A_40 = vector.broadcast %broadcast_in_dim3A_39 : f32 to vector<8x16xf32>
    %slice3A_41 = vector.extract_strided_slice %add3A_38 {offsets = [0, 0], sizes = [8, 8176], strides = [1, 1]} : vector<8x8192xf32> to vector<8x8176xf32>
    %concatenate3A_42 = tpu.concatenate %broadcast_in_dim3A_40, %slice3A_41 in 1 : vector<8x16xf32>, vector<8x8176xf32> -> vector<8x8192xf32>
    %add3A_43 = arith.addf %add3A_38, %concatenate3A_42 : vector<8x8192xf32>
    %broadcast_in_dim3A_44 = arith.constant 0.000000e+00 : f32
    %broadcast_in_dim3A_45 = vector.broadcast %broadcast_in_dim3A_44 : f32 to vector<8x32xf32>
    %slice3A_46 = vector.extract_strided_slice %add3A_43 {offsets = [0, 0], sizes = [8, 8160], strides = [1, 1]} : vector<8x8192xf32> to vector<8x8160xf32>
    %concatenate3A_47 = tpu.concatenate %broadcast_in_dim3A_45, %slice3A_46 in 1 : vector<8x32xf32>, vector<8x8160xf32> -> vector<8x8192xf32>
    %add3A_48 = arith.addf %add3A_43, %concatenate3A_47 : vector<8x8192xf32>
    %broadcast_in_dim3A_49 = arith.constant 0.000000e+00 : f32
    %broadcast_in_dim3A_50 = vector.broadcast %broadcast_in_dim3A_49 : f32 to vector<8x64xf32>
    %slice3A_51 = vector.extract_strided_slice %add3A_48 {offsets = [0, 0], sizes = [8, 8128], strides = [1, 1]} : vector<8x8192xf32> to vector<8x8128xf32>
    %concatenate3A_52 = tpu.concatenate %broadcast_in_dim3A_50, %slice3A_51 in 1 : vector<8x64xf32>, vector<8x8128xf32> -> vector<8x8192xf32>
    %add3A_53 = arith.addf %add3A_48, %concatenate3A_52 : vector<8x8192xf32>
    %broadcast_in_dim3A_54 = arith.constant 0.000000e+00 : f32
    %broadcast_in_dim3A_55 = vector.broadcast %broadcast_in_dim3A_54 : f32 to vector<8x128xf32>
    %slice3A_56 = vector.extract_strided_slice %add3A_53 {offsets = [0, 0], sizes = [8, 8064], strides = [1, 1]} : vector<8x8192xf32> to vector<8x8064xf32>
    %concatenate3A_57 = tpu.concatenate %broadcast_in_dim3A_55, %slice3A_56 in 1 : vector<8x128xf32>, vector<8x8064xf32> -> vector<8x8192xf32>
    %add3A_58 = arith.addf %add3A_53, %concatenate3A_57 : vector<8x8192xf32>
    %broadcast_in_dim3A_59 = arith.constant 0.000000e+00 : f32
    %broadcast_in_dim3A_60 = vector.broadcast %broadcast_in_dim3A_59 : f32 to vector<8x256xf32>
    %slice3A_61 = vector.extract_strided_slice %add3A_58 {offsets = [0, 0], sizes = [8, 7936], strides = [1, 1]} : vector<8x8192xf32> to vector<8x7936xf32>
    %concatenate3A_62 = tpu.concatenate %broadcast_in_dim3A_60, %slice3A_61 in 1 : vector<8x256xf32>, vector<8x7936xf32> -> vector<8x8192xf32>
    %add3A_63 = arith.addf %add3A_58, %concatenate3A_62 : vector<8x8192xf32>
    %broadcast_in_dim3A_64 = arith.constant 0.000000e+00 : f32
    %broadcast_in_dim3A_65 = vector.broadcast %broadcast_in_dim3A_64 : f32 to vector<8x512xf32>
    %slice3A_66 = vector.extract_strided_slice %add3A_63 {offsets = [0, 0], sizes = [8, 7680], strides = [1, 1]} : vector<8x8192xf32> to vector<8x7680xf32>
    %concatenate3A_67 = tpu.concatenate %broadcast_in_dim3A_65, %slice3A_66 in 1 : vector<8x512xf32>, vector<8x7680xf32> -> vector<8x8192xf32>
    %add3A_68 = arith.addf %add3A_63, %concatenate3A_67 : vector<8x8192xf32>
    %broadcast_in_dim3A_69 = arith.constant 0.000000e+00 : f32
    %broadcast_in_dim3A_70 = vector.broadcast %broadcast_in_dim3A_69 : f32 to vector<8x1024xf32>
    %slice3A_71 = vector.extract_strided_slice %add3A_68 {offsets = [0, 0], sizes = [8, 7168], strides = [1, 1]} : vector<8x8192xf32> to vector<8x7168xf32>
    %concatenate3A_72 = tpu.concatenate %broadcast_in_dim3A_70, %slice3A_71 in 1 : vector<8x1024xf32>, vector<8x7168xf32> -> vector<8x8192xf32>
    %add3A_73 = arith.addf %add3A_68, %concatenate3A_72 : vector<8x8192xf32>
    %broadcast_in_dim3A_74 = arith.constant 0.000000e+00 : f32
    %broadcast_in_dim3A_75 = vector.broadcast %broadcast_in_dim3A_74 : f32 to vector<8x2048xf32>
    %slice3A_76 = vector.extract_strided_slice %add3A_73 {offsets = [0, 0], sizes = [8, 6144], strides = [1, 1]} : vector<8x8192xf32> to vector<8x6144xf32>
    %concatenate3A_77 = tpu.concatenate %broadcast_in_dim3A_75, %slice3A_76 in 1 : vector<8x2048xf32>, vector<8x6144xf32> -> vector<8x8192xf32>
    %add3A_78 = arith.addf %add3A_73, %concatenate3A_77 : vector<8x8192xf32>
    %broadcast_in_dim3A_79 = arith.constant 0.000000e+00 : f32
    %broadcast_in_dim3A_80 = vector.broadcast %broadcast_in_dim3A_79 : f32 to vector<8x4096xf32>
    %slice3A_81 = vector.extract_strided_slice %add3A_78 {offsets = [0, 0], sizes = [8, 4096], strides = [1, 1]} : vector<8x8192xf32> to vector<8x4096xf32>
    %concatenate3A_82 = tpu.concatenate %broadcast_in_dim3A_80, %slice3A_81 in 1 : vector<8x4096xf32>, vector<8x4096xf32> -> vector<8x8192xf32>
    %add3A_83 = arith.addf %add3A_78, %concatenate3A_82 : vector<8x8192xf32>
    %broadcast_in_dim3A_84 = arith.constant 0.000000e+00 : f32
    %broadcast_in_dim3A_85 = vector.broadcast %broadcast_in_dim3A_84 : f32 to vector<8x1xf32>
    %slice3A_86 = vector.extract_strided_slice %slice3A {offsets = [0, 0], sizes = [8, 8191], strides = [1, 1]} : vector<8x8192xf32> to vector<8x8191xf32>
    %concatenate3A_87 = tpu.concatenate %broadcast_in_dim3A_85, %slice3A_86 in 1 : vector<8x1xf32>, vector<8x8191xf32> -> vector<8x8192xf32>
    %add3A_88 = arith.addf %slice3A, %concatenate3A_87 : vector<8x8192xf32>
    %broadcast_in_dim3A_89 = arith.constant 0.000000e+00 : f32
    %broadcast_in_dim3A_90 = vector.broadcast %broadcast_in_dim3A_89 : f32 to vector<8x2xf32>
    %slice3A_91 = vector.extract_strided_slice %add3A_88 {offsets = [0, 0], sizes = [8, 8190], strides = [1, 1]} : vector<8x8192xf32> to vector<8x8190xf32>
    %concatenate3A_92 = tpu.concatenate %broadcast_in_dim3A_90, %slice3A_91 in 1 : vector<8x2xf32>, vector<8x8190xf32> -> vector<8x8192xf32>
    %add3A_93 = arith.addf %add3A_88, %concatenate3A_92 : vector<8x8192xf32>
    %broadcast_in_dim3A_94 = arith.constant 0.000000e+00 : f32
    %broadcast_in_dim3A_95 = vector.broadcast %broadcast_in_dim3A_94 : f32 to vector<8x4xf32>
    %slice3A_96 = vector.extract_strided_slice %add3A_93 {offsets = [0, 0], sizes = [8, 8188], strides = [1, 1]} : vector<8x8192xf32> to vector<8x8188xf32>
    %concatenate3A_97 = tpu.concatenate %broadcast_in_dim3A_95, %slice3A_96 in 1 : vector<8x4xf32>, vector<8x8188xf32> -> vector<8x8192xf32>
    %add3A_98 = arith.addf %add3A_93, %concatenate3A_97 : vector<8x8192xf32>
    %broadcast_in_dim3A_99 = arith.constant 0.000000e+00 : f32
    %broadcast_in_dim3A_100 = vector.broadcast %broadcast_in_dim3A_99 : f32 to vector<8x8xf32>
    %slice3A_101 = vector.extract_strided_slice %add3A_98 {offsets = [0, 0], sizes = [8, 8184], strides = [1, 1]} : vector<8x8192xf32> to vector<8x8184xf32>
    %concatenate3A_102 = tpu.concatenate %broadcast_in_dim3A_100, %slice3A_101 in 1 : vector<8x8xf32>, vector<8x8184xf32> -> vector<8x8192xf32>
    %add3A_103 = arith.addf %add3A_98, %concatenate3A_102 : vector<8x8192xf32>
    %broadcast_in_dim3A_104 = arith.constant 0.000000e+00 : f32
    %broadcast_in_dim3A_105 = vector.broadcast %broadcast_in_dim3A_104 : f32 to vector<8x16xf32>
    %slice3A_106 = vector.extract_strided_slice %add3A_103 {offsets = [0, 0], sizes = [8, 8176], strides = [1, 1]} : vector<8x8192xf32> to vector<8x8176xf32>
    %concatenate3A_107 = tpu.concatenate %broadcast_in_dim3A_105, %slice3A_106 in 1 : vector<8x16xf32>, vector<8x8176xf32> -> vector<8x8192xf32>
    %add3A_108 = arith.addf %add3A_103, %concatenate3A_107 : vector<8x8192xf32>
    %broadcast_in_dim3A_109 = arith.constant 0.000000e+00 : f32
    %broadcast_in_dim3A_110 = vector.broadcast %broadcast_in_dim3A_109 : f32 to vector<8x32xf32>
    %slice3A_111 = vector.extract_strided_slice %add3A_108 {offsets = [0, 0], sizes = [8, 8160], strides = [1, 1]} : vector<8x8192xf32> to vector<8x8160xf32>
    %concatenate3A_112 = tpu.concatenate %broadcast_in_dim3A_110, %slice3A_111 in 1 : vector<8x32xf32>, vector<8x8160xf32> -> vector<8x8192xf32>
    %add3A_113 = arith.addf %add3A_108, %concatenate3A_112 : vector<8x8192xf32>
    %broadcast_in_dim3A_114 = arith.constant 0.000000e+00 : f32
    %broadcast_in_dim3A_115 = vector.broadcast %broadcast_in_dim3A_114 : f32 to vector<8x64xf32>
    %slice3A_116 = vector.extract_strided_slice %add3A_113 {offsets = [0, 0], sizes = [8, 8128], strides = [1, 1]} : vector<8x8192xf32> to vector<8x8128xf32>
    %concatenate3A_117 = tpu.concatenate %broadcast_in_dim3A_115, %slice3A_116 in 1 : vector<8x64xf32>, vector<8x8128xf32> -> vector<8x8192xf32>
    %add3A_118 = arith.addf %add3A_113, %concatenate3A_117 : vector<8x8192xf32>
    %broadcast_in_dim3A_119 = arith.constant 0.000000e+00 : f32
    %broadcast_in_dim3A_120 = vector.broadcast %broadcast_in_dim3A_119 : f32 to vector<8x128xf32>
    %slice3A_121 = vector.extract_strided_slice %add3A_118 {offsets = [0, 0], sizes = [8, 8064], strides = [1, 1]} : vector<8x8192xf32> to vector<8x8064xf32>
    %concatenate3A_122 = tpu.concatenate %broadcast_in_dim3A_120, %slice3A_121 in 1 : vector<8x128xf32>, vector<8x8064xf32> -> vector<8x8192xf32>
    %add3A_123 = arith.addf %add3A_118, %concatenate3A_122 : vector<8x8192xf32>
    %broadcast_in_dim3A_124 = arith.constant 0.000000e+00 : f32
    %broadcast_in_dim3A_125 = vector.broadcast %broadcast_in_dim3A_124 : f32 to vector<8x256xf32>
    %slice3A_126 = vector.extract_strided_slice %add3A_123 {offsets = [0, 0], sizes = [8, 7936], strides = [1, 1]} : vector<8x8192xf32> to vector<8x7936xf32>
    %concatenate3A_127 = tpu.concatenate %broadcast_in_dim3A_125, %slice3A_126 in 1 : vector<8x256xf32>, vector<8x7936xf32> -> vector<8x8192xf32>
    %add3A_128 = arith.addf %add3A_123, %concatenate3A_127 : vector<8x8192xf32>
    %broadcast_in_dim3A_129 = arith.constant 0.000000e+00 : f32
    %broadcast_in_dim3A_130 = vector.broadcast %broadcast_in_dim3A_129 : f32 to vector<8x512xf32>
    %slice3A_131 = vector.extract_strided_slice %add3A_128 {offsets = [0, 0], sizes = [8, 7680], strides = [1, 1]} : vector<8x8192xf32> to vector<8x7680xf32>
    %concatenate3A_132 = tpu.concatenate %broadcast_in_dim3A_130, %slice3A_131 in 1 : vector<8x512xf32>, vector<8x7680xf32> -> vector<8x8192xf32>
    %add3A_133 = arith.addf %add3A_128, %concatenate3A_132 : vector<8x8192xf32>
    %broadcast_in_dim3A_134 = arith.constant 0.000000e+00 : f32
    %broadcast_in_dim3A_135 = vector.broadcast %broadcast_in_dim3A_134 : f32 to vector<8x1024xf32>
    %slice3A_136 = vector.extract_strided_slice %add3A_133 {offsets = [0, 0], sizes = [8, 7168], strides = [1, 1]} : vector<8x8192xf32> to vector<8x7168xf32>
    %concatenate3A_137 = tpu.concatenate %broadcast_in_dim3A_135, %slice3A_136 in 1 : vector<8x1024xf32>, vector<8x7168xf32> -> vector<8x8192xf32>
    %add3A_138 = arith.addf %add3A_133, %concatenate3A_137 : vector<8x8192xf32>
    %broadcast_in_dim3A_139 = arith.constant 0.000000e+00 : f32
    %broadcast_in_dim3A_140 = vector.broadcast %broadcast_in_dim3A_139 : f32 to vector<8x2048xf32>
    %slice3A_141 = vector.extract_strided_slice %add3A_138 {offsets = [0, 0], sizes = [8, 6144], strides = [1, 1]} : vector<8x8192xf32> to vector<8x6144xf32>
    %concatenate3A_142 = tpu.concatenate %broadcast_in_dim3A_140, %slice3A_141 in 1 : vector<8x2048xf32>, vector<8x6144xf32> -> vector<8x8192xf32>
    %add3A_143 = arith.addf %add3A_138, %concatenate3A_142 : vector<8x8192xf32>
    %broadcast_in_dim3A_144 = arith.constant 0.000000e+00 : f32
    %broadcast_in_dim3A_145 = vector.broadcast %broadcast_in_dim3A_144 : f32 to vector<8x4096xf32>
    %slice3A_146 = vector.extract_strided_slice %add3A_143 {offsets = [0, 0], sizes = [8, 4096], strides = [1, 1]} : vector<8x8192xf32> to vector<8x4096xf32>
    %concatenate3A_147 = tpu.concatenate %broadcast_in_dim3A_145, %slice3A_146 in 1 : vector<8x4096xf32>, vector<8x4096xf32> -> vector<8x8192xf32>
    %add3A_148 = arith.addf %add3A_143, %concatenate3A_147 : vector<8x8192xf32>
    %slice3A_149 = vector.extract_strided_slice %add3A_83 {offsets = [0, 8191], sizes = [8, 1], strides = [1, 1]} : vector<8x8192xf32> to vector<8x1xf32>
    %slice3A_150 = vector.extract_strided_slice %add3A_148 {offsets = [0, 8191], sizes = [8, 1], strides = [1, 1]} : vector<8x8192xf32> to vector<8x1xf32>
    %sub3A = vector.broadcast %slice3A_150 : vector<8x1xf32> to vector<8x8192xf32>
    %sub3A_151 = arith.subf %sub3A, %add3A_148 : vector<8x8192xf32>
    %add3A_152 = vector.broadcast %slice3A_149 : vector<8x1xf32> to vector<8x8192xf32>
    %add3A_153 = arith.addf %add3A_152, %sub3A_151 : vector<8x8192xf32>
    %add3A_154 = arith.addf %add3A_153, %slice3A : vector<8x8192xf32>
    %sub3A_155 = arith.subf %add3A_83, %slice3A_13 : vector<8x8192xf32>
    %max3A = arith.constant 1.000000e+00 : f32
    %max3A_156 = vector.broadcast %max3A : f32 to vector<8x8192xf32>
    %max3A_157 = arith.maximumf %add3A_153, %max3A_156 : vector<8x8192xf32>
    %div3A = arith.divf %mul3A_20, %max3A_157 : vector<8x8192xf32>
    %mul3A_158 = arith.mulf %mul3A_19, %sub3A_155 : vector<8x8192xf32>
    %mul3A_159 = arith.mulf %add3A_153, %add3A_154 : vector<8x8192xf32>
    %max3A_160 = arith.constant 1.000000e+00 : f32
    %max3A_161 = vector.broadcast %max3A_160 : f32 to vector<8x8192xf32>
    %max3A_162 = arith.maximumf %mul3A_159, %max3A_161 : vector<8x8192xf32>
    %div3A_163 = arith.divf %mul3A_158, %max3A_162 : vector<8x8192xf32>
    %add3A_164 = arith.addf %div3A, %div3A_163 : vector<8x8192xf32>
    %reduce_sum3A = arith.constant dense<0.000000e+00> : vector<8xf32>
    %reduce_sum3A_165 = vector.multi_reduction <add>, %add3A_164, %reduce_sum3A [1] : vector<8x8192xf32> to vector<8xf32>
    %broadcast_in_dim3A_166 = vector.shape_cast %reduce_sum3A_165 : vector<8xf32> to vector<8x1xf32>
    %gt3A = arith.constant 0.000000e+00 : f32
    %gt3A_167 = vector.broadcast %gt3A : f32 to vector<8x1xf32>
    %gt3A_168 = arith.cmpf ogt, %slice3A_149, %gt3A_167 : vector<8x1xf32>
    %convert_element_type3A_169 = arith.extui %gt3A_168 : vector<8x1xi1> to vector<8x1xi32>
    %convert_element_type3A_170 = arith.sitofp %convert_element_type3A_169 : vector<8x1xi32> to vector<8x1xf32>
    %mul3A_171 = arith.mulf %broadcast_in_dim3A_166, %convert_element_type3A_170 : vector<8x1xf32>
    %reduce_sum3A_172 = vector.shape_cast %mul3A_171 : vector<8x1xf32> to vector<1x8x1xf32>
    %reduce_sum3A_173 = arith.constant dense<0.000000e+00> : vector<1xf32>
    %reduce_sum3A_174 = vector.multi_reduction <add>, %reduce_sum3A_172, %reduce_sum3A_173 [1, 2] : vector<1x8x1xf32> to vector<1xf32>
    %reduce_sum3A_175 = vector.shape_cast %reduce_sum3A_174 : vector<1xf32> to vector<1x1x1xf32>
    %reduce_sum3A_176 = vector.extract %reduce_sum3A_175[0, 0, 0] : f32 from vector<1x1x1xf32>
    %reduce_sum3A_177 = vector.shape_cast %convert_element_type3A_170 : vector<8x1xf32> to vector<1x8x1xf32>
    %reduce_sum3A_178 = arith.constant dense<0.000000e+00> : vector<1xf32>
    %reduce_sum3A_179 = vector.multi_reduction <add>, %reduce_sum3A_177, %reduce_sum3A_178 [1, 2] : vector<1x8x1xf32> to vector<1xf32>
    %reduce_sum3A_180 = vector.shape_cast %reduce_sum3A_179 : vector<1xf32> to vector<1x1x1xf32>
    %reduce_sum3A_181 = vector.extract %reduce_sum3A_180[0, 0, 0] : f32 from vector<1x1x1xf32>
    %div3A_182 = arith.divf %reduce_sum3A_176, %reduce_sum3A_181 : f32
    %reshape3A = vector.broadcast %div3A_182 : f32 to vector<1x1xf32>
    %swap3A = arith.constant 0 : index
    %swap3A_183 = arith.constant 0 : index
    %swap3A_184 = vector.load %arg1[%swap3A, %swap3A_183] : memref<1x1xf32, #tpu.memory_space<vmem>>, vector<1x1xf32>
    tpu.vector_store %arg1[%swap3A, %swap3A_183], %reshape3A {strides = array<i32>} : memref<1x1xf32, #tpu.memory_space<vmem>>, vector<1x1xf32>,
    return
  }
}

</mosaic_0001>

<sc_bundles>
// kernel: kernel.4.cloned.1.call-start
scs
__scs_entry_jumppad:
0x0: {  	(pc) =	sbr.rel $0x88, $3  }
0x1: {  	(tag) =	ssettag $0x0;
	lr =	simm.s32 $0x1  }
0x2: {  	[smem:$0x3F9F] =	sst lr;
	_ =	strace $0xD0000000  }
0x3: {  	_ = 	snop  }
0x4: {  	_ = 	snop  }
0x5: {  	_ = 	snop  }
0x6: {  	_ = 	snop  }
0x7: {  	_ = 	snop  }
__scs_overlays_trampoline_lowered:
0x8: {  	[smem:$0x3FAE] =	sst s0  }
0x9: {  	[smem:$0x3FAF] =	sst s1  }
0xa: {  	[smem:$0x3FB0] =	sst s2  }
0xb: {  	[smem:$0x3FB1] =	sst s3  }
0xc: {  	[smem:$0x3FB2] =	sst s4  }
0xd: {  	[smem:$0x3FB3] =	sst s5  }
0xe: {  	[smem:$0x3FB4] =	sst s6  }
0xf: {  	[smem:$0x3FB5] =	sst s7  }
0x10: {  	[smem:$0x3FB6] =	sst s8  }
0x11: {  	[smem:$0x3FB7] =	sst s9;
	s0 =	simm.s32 @!p0 $0x0  }
0x12: {  	s1 =	sld [smem:$0x3F9D];
	s0 =	simm.s32 @p0 $0x1  }
0x13: {  	[smem:$0x3FB8] =	sst s0;
	s0 =	simm.s32 @!p1 $0x0  }
0x14: {  	s2 =	sld [smem:$0x3F9C];
	s0 =	simm.s32 @p1 $0x1  }
0x15: {  	[smem:$0x3FB9] =	sst s0;
	s0 =	simm.s32 @!p2 $0x0  }
0x16: {  	s3 =	sld [smem:$0x3FDB];
	s0 =	simm.s32 @p2 $0x1  }
0x17: {  	s4 =	simm.s32 $0x1BF5;
	[smem:$0x3FBB] =	sst s0  }
0x18: {  	s0 =	sld [smem:$0x3F9E];
	_ =	swait.ge [sflag:s4], $0x0  }
0x19: {  	s7 =	sld [smem:$0x3F9F]  }
0x1a: {  	s8 =	sadd.s32 $0xFFFFE003, lr  }
0x1b: {  	s9 =	sadd.s32 $0xFFFFFEF7, lr;
	s5 =	simm.s32 $0xFFFFFFFF;
	p2 =	slt.u32 s8, $0xFFFFF086  }
0x1c: {  	p1 =	slt.u32 s9, $0xF7A;
	s5 =	simm.s32 @!p2 $0x0  }
0x1d: {  	s5 =	simm.s32 @p1 $0x1;
	p0 =	seq.s32 s7, s2  }
0x1e: {  	s7 =	smul.u32 @!p0 $0xF7A, s2;
	p2 =	seq.s32 @!p0 s5, $0x0  }
0x1f: {  	s9 =	smul.u32 $0xF7A, s1;
	s8 =	simm.s32 @!p0 $0x1BF5;
	p2 =	por !p2, p0  }
0x20: {  	[sflag:s8] =	ssyncset.s32 @!p0 $0xFFFFF086;
	s6 =	sadd.s32 @!p0 s3, s7;
	s7 =	simm.s32 @!p0 $0x108  }
0x21: {  	s3 =	sadd.s32 s3, s9;
	s6 =	sadd.s32 @!p0 $0x88, s6;
	s7 =	simm.s32 @p2 $0x1082  }
0x22: {  	[simem:s7], [sflag:s8] =	dma.local @!p0 [hbm:s6], $0xF7A  }
0x23: {  	s9 =	sor.u32 $0xD0000000, s2;
	s6 =	simm.s32 $0x108;
	_ =	swait.ge @!p0 [sflag:s8], $0x0  }
0x24: {  	s3 =	sadd.s32 $0x88, s3;
	s6 =	simm.s32 @!p1 $0x1082;
	[sflag:s4] =	ssyncset.s32 $0xFFFFF086  }
0x25: {  	[simem:s6], [sflag:s4] =	dma.local [hbm:s3], $0xF7A  }
0x26: {  	[smem:$0x3F9F] =	sst s1;
	(tag) =	ssettag s2;
	_ =	strace s9  }
0x27: {  	s1 =	sld [smem:$0x3FAF]  }
0x28: {  	s2 =	sld [smem:$0x3FB0]  }
0x29: {  	s4 =	sld [smem:$0x3FB2]  }
0x2a: {  	p0 =	seq.s32 s5, $0x0;
	s5 =	sld [smem:$0x3FB3]  }
0x2b: {  	s6 =	sld [smem:$0x3FB4]  }
0x2c: {  	s7 =	sld [smem:$0x3FB5]  }
0x2d: {  	s3 =	simm.s32 $0x108;
	s8 =	sld [smem:$0x3FB6]  }
0x2e: {  	s3 =	simm.s32 @!p0 $0x1082;
	s9 =	sld [smem:$0x3FB7]  }
0x2f: {  	lr =	sadd.s32 s0, s3;
	s0 =	sld [smem:$0x3FAE]  }
0x30: {  	s3 =	sld [smem:$0x3FB1]  }
0x31: {  	[smem:$0x3FBA] =	sst s10  }
0x32: {  	s10 =	sld [smem:$0x3FB8];
	_ =	sdelay $0x3  }
0x33: {  	p0 =	seq.s32 s10, $0x1;
	s10 =	sld [smem:$0x3FBA];
	_ =	sdelay $0x3  }
0x34: {  	[smem:$0x3FBA] =	sst s10  }
0x35: {  	s10 =	sld [smem:$0x3FB9];
	_ =	sdelay $0x3  }
0x36: {  	p1 =	seq.s32 s10, $0x1;
	s10 =	sld [smem:$0x3FBA];
	_ =	sdelay $0x3  }
0x37: {  	[smem:$0x3FBA] =	sst s10  }
0x38: {  	s10 =	sld [smem:$0x3FBB]  }
0x39: {  	_ = 	snop;
	(pc) =	sbr.ind lr, $3  }
0x3a: {  	_ = 	snop  }
0x3b: {  	_ = 	snop  }
0x3c: {  	p2 =	seq.s32 s10, $0x1;
	s10 =	sld [smem:$0x3FBA]  }
0x3d: {  	_ =	shalt  }
0x3e: {  	_ =	shalt  }
0x3f: {  	_ =	shalt  }
0x40: {  	_ =	shalt  }
0x41: {  	_ =	shalt  }
0x42: {  	_ =	shalt  }
0x43: {  	_ =	shalt  }
0x44: {  	_ =	shalt  }
0x45: {  	_ =	shalt  }
0x46: {  	_ =	shalt  }
0x47: {  	_ =	shalt  }
0x48: {  	_ =	shalt  }
0x49: {  	_ =	shalt  }
0x4a: {  	_ =	shalt  }
0x4b: {  	_ =	shalt  }
0x4c: {  	_ =	shalt  }
0x4d: {  	_ =	shalt  }
0x4e: {  	_ =	shalt  }
0x4f: {  	_ =	shalt  }
0x50: {  	_ =	shalt  }
0x51: {  	_ =	shalt  }
0x52: {  	_ =	shalt  }
0x53: {  	_ =	shalt  }
0x54: {  	_ =	shalt  }
0x55: {  	_ =	shalt  }
0x56: {  	_ =	shalt  }
0x57: {  	_ =	shalt  }
0x58: {  	_ =	shalt  }
0x59: {  	_ =	shalt  }
0x5a: {  	_ =	shalt  }
0x5b: {  	_ =	shalt  }
0x5c: {  	_ =	shalt  }
0x5d: {  	_ =	shalt  }
0x5e: {  	_ =	shalt  }
0x5f: {  	_ =	shalt  }
0x60: {  	_ =	shalt  }
0x61: {  	_ =	shalt  }
0x62: {  	_ =	shalt  }
0x63: {  	_ =	shalt  }
0x64: {  	_ =	shalt  }
0x65: {  	_ =	shalt  }
0x66: {  	_ =	shalt  }
0x67: {  	_ =	shalt  }
0x68: {  	_ =	shalt  }
0x69: {  	_ =	shalt  }
0x6a: {  	_ =	shalt  }
0x6b: {  	_ =	shalt  }
0x6c: {  	_ =	shalt  }
0x6d: {  	_ =	shalt  }
0x6e: {  	_ =	shalt  }
0x6f: {  	_ =	shalt  }
0x70: {  	_ =	shalt  }
0x71: {  	_ =	shalt  }
0x72: {  	_ =	shalt  }
0x73: {  	_ =	shalt  }
0x74: {  	_ =	shalt  }
0x75: {  	_ =	shalt  }
0x76: {  	_ =	shalt  }
0x77: {  	_ =	shalt  }
0x78: {  	_ =	shalt  }
0x79: {  	_ =	shalt  }
0x7a: {  	_ =	shalt  }
0x7b: {  	_ =	shalt  }
0x7c: {  	_ =	shalt  }
0x7d: {  	_ =	shalt  }
0x7e: {  	_ =	shalt  }
0x7f: {  	_ =	shalt  }
0x80: {  	_ =	shalt  }
0x81: {  	_ =	shalt  }
0x82: {  	_ =	shalt  }
0x83: {  	_ =	shalt  }
0x84: {  	_ =	shalt  }
0x85: {  	_ =	shalt  }
0x86: {  	_ =	shalt  }
0x87: {  	_ =	shalt  }
.Lfunc_end0:
.L_simem_size_0:
called_computation.1_lowered:
.L_overlay_start_0:
0x88: {  	s2 =	sld [smem:$0x3FD9]  }
0x89: {  	s3 =	sld [smem:$0x3FFE];
	_ =	sdelay $0x1  }
0x8a: {  	s1 =	srdreg.scid  }
0x8b: {  	s0 =	sand.u32 $0x1, s1  }
0x8c: {  	s16 =	sshll.u32 s0, $0xA;
	s2 =	sadd.s32 s3, s2  }
0x8d: {  	s2 =	sadd.s32 s2, s16  }
0x8e: {  	[smem:$0x3FC6] =	sst s2  }
0x8f: {  	_ = 	snop  }
0x90: {  	(tm) =	ssettm $0x1  }
0x91: {  	s17 =	sld [smem:$0x3FFB];
	_ =	sdelay $0x3  }
0x92: {  	_ =	strace s17  }
0x93: {  	s2 =	sld [smem:$0x3FFC];
	_ =	sdelay $0x3  }
0x94: {  	_ =	strace s2  }
0x95: {  	s2 =	sld [smem:$0x3FFD];
	_ =	sdelay $0x3  }
0x96: {  	_ =	strace s2  }
0x97: {  	_ =	strace $0x8FFFFFFF  }
0x98: {  	s18 =	sld [smem:$0x3FDB];
	_ =	sdelay $0x1  }
0x99: {  	s19 =	simm.s32 $_scs_section_size  }
0x9a: {  	s4 =	simm.s32 $_size__tile_overlayer_lowered;
	s5 =	simm.s32 $_tile_overlayer_lowered  }
0x9b: {  	s22 =	simm.s32 $0x1BFF;
	s21 =	sshll.u32 s5, $0x1;
	s2 =	sadd.s32 s19, s18  }
0x9c: {  	s6 =	simm.s32 $0x0;
	s20 =	sshll.u32 s4, $0x1;
	s4 =	sadd.s32 s21, s2  }
0x9d: {  	[timem:s6], [sflag:s22] =	dma.local [hbm:s4], s20  }
0x9e: {  	_ =	swait.ge [sflag:s22], s20  }
0x9f: {  	s3 =	ssub.s32 $0x0, s20;
	[sflag:s22] =	ssyncset.done $0x0  }
0xa0: {  	[sflag:s22] =	ssyncadd.s32 s3;
	_ =	sdelay $0x1  }
0xa1: {  	s23 =	simm.s32 $0x1B8B  }
0xa2: {  	_ =	swait.ge [sflag:s23], $0x1  }
0xa3: {  	[sflag:s23] =	ssyncset.done $0x0  }
0xa4: {  	s25 =	simm.s32 $0x1B8E;
	s24 =	sld [smem:$0x3FFE];
	[sflag:s23] =	ssyncadd.s32 $0xFFFFFFFF  }
0xa5: {  	s26 =	simm.s32 $execute0_lowered;
	[smem:$0x3FD2] =	sst s25  }
0xa6: {  	s4 =	sshll.u32 s26, $0x1;
	_ =	strace $0x80000049;
	[dreg:$0x1] =	wrdreg $0xFFFFFFFF  }
0xa7: {  	s28 =	simm.s32 $_size_execute0_lowered;
	s2 =	sadd.s32 s2, s4;
	[dreg:$0x0] =	wrdreg $0x0  }
0xa8: {  	s4 =	sshll.u32 s28, $0x1;
	[dreg:$0x2] =	wrdreg s2  }
0xa9: {  	[dreg:$0x3] =	wrdreg s4  }
0xaa: {  	[dreg:$0x4] =	wrdreg $0xC0  }
0xab: {  	_ =	task [dreg:s6], $0x5FFFF  }
0xac: {  	[dreg:$0x1] =	wrdreg $0xFFFFFFFF  }
0xad: {  	[dreg:$0x0] =	wrdreg $0x60  }
0xae: {  	[dreg:$0x2] =	wrdreg s24  }
0xaf: {  	[dreg:$0x3] =	wrdreg $0x9  }
0xb0: {  	_ =	task.clear_ibuf [dreg:s6], $0x4FFFF;
	_ =	strace $0x90000049  }
0xb1: {  	s29 =	simm.s32 $0x9;
	_ =	strace $0x8000004B  }
0xb2: {  	_ =	swait.ge [sflag:s29], $0x1  }
0xb3: {  	[sflag:s29] =	ssyncadd.s32 $0xFFFFFFFF  }
0xb4: {  	_ =	strace $0x9000004B  }
0xb5: {  	_ =	sfence  }
0xb6: {  	s30 =	sld [smem:$0x0];
	_ =	sdelay $0x2  }
0xb7: {  	s31 =	sshll.u32 s1, $0xD;
	s1 =	sshrl.u32 s1, $0x2  }
0xb8: {  	s3 =	sand.u32 $0x4000, s31;
	s1 =	sadd.s32 s1, s30  }
0xb9: {  	s0 =	sor.u32 s3, s0;
	s1 =	sshll.u32 s1, $0x11  }
0xba: {  	s0 =	sor.u32 s1, s0  }
0xbb: {  	s0 =	sadd.s32 $0x8F2B, s0  }
0xbc: {  	[sflag:s0] =	ssyncadd.remote.s32 $0x1  }
0xbd: {  	_ =	sfence.sel $0xFFFF  }
0xbe: {  	[dreg:$0x0] =	wrdreg $0xFFFFFFFF;
	(pc) =	sbr.abs _section_cstart, $3  }
0xbf: {  	[dreg:$0x1] =	wrdreg $0xFFFFFFFF  }
0xc0: {  	_ =	task.clear_ibuf [dreg:s6], $0x2FFFF;
	_ =	strace $0x9FFFFFFF  }
0xc1: {  	(tm) =	ssettm $0x7FFFFFFF  }
tec
execute0_lowered:
.L_overlay_start_1:
0x0: {  	(tag) =	ssettag $0x1  }
0x1: {  	s5 =	rddreg [dreg:$0x0]  }
0x2: {  	s0 =	rddreg [dreg:$0x1];
	s2 =	simm.s32 $0x0  }
0x3: {  	s3 =	srdreg.scid;
	s1 =	stileid.u32;
	s11 =	simm.s32 $0x4000  }
0x4: {  	s12 =	simm.s32 $0x0;
	[smem:$0x7FF] =	sst s2;
	s4 =	sand.u32 $0x1, s3  }
0x5: {  	s6 =	sshll.u32 s1, $0x1;
	s3 =	sadd.s32 $0xA00, s5;
	s31 =	sshll.u32 s1, $0x10  }
0x6: {  	_ =	strace $0x8000004A;
	s6 =	sor.u32 s4, s6;
	s7 =	ssub.s32 $0x2, s4  }
0x7: {  	s4 =	sadd.s32 $0x100A00, s5;
	s8 =	sshll.u32 s6, $0xB;
	s9 =	sshrl.u32 s7, $0x1  }
0x8: {  	s10 =	sand.u32 $0x7, s6;
	s8 =	sadd.s32 s8, s5;
	s9 =	ssub.s32 s7, s9  }
0x9: {  	s5 =	sshll.u32 s6, $0x12;
	s6 =	sand.u32 $0xC0000, s31;
	v0 =	vmov s10;
	s10 =	simm.s32 $0x2000  }
0xa: {  	v1 =	vimm.f32 $0.0e+00;
	v2 =	vimm.f32 $1.000000000e+00;
	s7 =	sadd.s32 $0x120A00, s8;
	s8 =	smax.u32 s9, $0x1;
	s9 =	simm.s32 $0x1  }
.LBB2_1:
0xb: {  	s13 =	simm.s32 $0x40;
	s14 =	simm.s32 $0x0  }
.LBB2_2:
0xc: {  	p0 =	sne.s32 s13, $0xFFC0;
	[tilespmem:s14+$0x4000] =	vst v1;
	s14 =	smov.u32 s13;
	s13 =	sadd.s32 $0x40, s13  }
.Ltmp0:
0xd: {  	(pc) =	sbr.rel @p0 .LBB2_2-.Ltmp0, $2  }
0xe: {  	_ =	sdelay $0x2  }
0xf: {  	s14 =	sshra.s32 s14, $0x2  }
0x10: {  	[tilespmem:s14+$0x4000] =	vst v1;
	s13 =	simm.s32 $0x0;
	s14 =	simm.s32 $0x0  }
.LBB2_4:
0x11: {  	s15 =	sshll.u32 s14, $0xD  }
0x12: {  	s16 =	sadd.s32 s5, s15  }
0x13: {  	s16 =	sshrl.u32 s16, $0x3  }
0x14: {  	s16 =	sadd.s32 s3, s16  }
0x15: {  	[tilespmem:s13], [sflag:$0x1] =	stream.linear.gather [hbm4b:s16+s13], $0x2000, $0x38;
	[tilespmem:$0x8000] =	vst v63  }
0x16: {  	s15 =	sor.u32 s6, s15;
	_ =	swait.ge [sflag:s9], $0x2000  }
0x17: {  	s15 =	sshrl.u32 s15, $0x3;
	[sflag:s9] =	ssyncset.done $0x0  }
0x18: {  	s15 =	sadd.s32 s4, s15;
	[sflag:s9] =	ssyncadd.s32 $0xFFFFE000  }
0x19: {  	[tilespmem:s10], [sflag:$0x1] =	stream.linear.gather [hbm4b:s15+s13], $0x2000, $0x38;
	[tilespmem:$0x8000] =	vst v63  }
0x1a: {  	_ =	swait.ge [sflag:s9], $0x2000  }
0x1b: {  	[sflag:s9] =	ssyncset.done $0x0  }
0x1c: {  	s15 =	simm.s32 $0x0;
	[sflag:s9] =	ssyncadd.s32 $0xFFFFE000  }
.LBB2_5:
0x1d: {  	s16 =	sshra.s32 s15, $0x2  }
0x1e: {  	v3 =	vld [tilespmem:s16+$0x2000];
	_ =	sdelay $0x1  }
0x1f: {  	v4 =	vld [tilespmem:s16+$0x0];
	_ =	sdelay $0x2  }
0x20: {  	vm0 =	veq.s32 v3, v0  }
0x21: {  	v3 =	vsel vm0, $0x3F800000, v1  }
0x22: {  	v3 =	vsub.f32 v3, v4;
	_ =	sdelay $0x1  }
0x23: {  	v3 =	vand.u32 $0x7FFFFFFF, v3  }
0x24: {  	v3 =	vmul.f32 $8.192000000e+03, v3;
	_ =	sdelay $0x1  }
0x25: {  	v3 =	vtrunc.f32 v3  }
0x26: {  	v3 =	vcvt.f32.s32 v3;
	_ =	sdelay $0x1  }
0x27: {  	vm1 =	vlt.s32 v3, $0x1FFF  }
0x28: {  	v3 =	vnsel vm1, $0x1FFF, v3  }
0x29: {  	v49 =	vadd.s32 $0x2000, v3  }
0x2a: {  	v3 =	vsel vm0, v49, v3;
	_ =	sdelay $0x4  }
0x2b: {  	[tilespmem:v3+s11+$0x0] =	vst.idx.add.f32.msk $0xffff, v2  }
0x2c: {  	v3 =	vld [tilespmem:s16+$0x2010];
	_ =	sdelay $0x1  }
0x2d: {  	v50 =	vld [tilespmem:s16+$0x10];
	_ =	sdelay $0x2  }
0x2e: {  	vm14 =	veq.s32 v3, v0  }
0x2f: {  	v3 =	vsel vm14, $0x3F800000, v1  }
0x30: {  	v3 =	vsub.f32 v3, v50;
	_ =	sdelay $0x1  }
0x31: {  	v3 =	vand.u32 $0x7FFFFFFF, v3  }
0x32: {  	v3 =	vmul.f32 $8.192000000e+03, v3;
	_ =	sdelay $0x1  }
0x33: {  	v3 =	vtrunc.f32 v3  }
0x34: {  	v3 =	vcvt.f32.s32 v3;
	_ =	sdelay $0x1  }
0x35: {  	vm15 =	vlt.s32 v3, $0x1FFF  }
0x36: {  	v3 =	vnsel vm15, $0x1FFF, v3  }
0x37: {  	v51 =	vadd.s32 $0x2000, v3  }
0x38: {  	v3 =	vsel vm14, v51, v3;
	_ =	sdelay $0x4  }
0x39: {  	[tilespmem:v3+s11+$0x0] =	vst.idx.add.f32.msk $0xffff, v2  }
0x3a: {  	v3 =	vld [tilespmem:s16+$0x2020];
	_ =	sdelay $0x1  }
0x3b: {  	v52 =	vld [tilespmem:s16+$0x20];
	_ =	sdelay $0x2  }
0x3c: {  	vm4 =	veq.s32 v3, v0  }
0x3d: {  	v3 =	vsel vm4, $0x3F800000, v1  }
0x3e: {  	v3 =	vsub.f32 v3, v52;
	_ =	sdelay $0x1  }
0x3f: {  	v3 =	vand.u32 $0x7FFFFFFF, v3  }
0x40: {  	v3 =	vmul.f32 $8.192000000e+03, v3;
	_ =	sdelay $0x1  }
0x41: {  	v3 =	vtrunc.f32 v3  }
0x42: {  	v3 =	vcvt.f32.s32 v3;
	_ =	sdelay $0x1  }
0x43: {  	vm5 =	vlt.s32 v3, $0x1FFF  }
0x44: {  	v3 =	vnsel vm5, $0x1FFF, v3  }
0x45: {  	v53 =	vadd.s32 $0x2000, v3  }
0x46: {  	v3 =	vsel vm4, v53, v3;
	_ =	sdelay $0x4  }
0x47: {  	[tilespmem:v3+s11+$0x0] =	vst.idx.add.f32.msk $0xffff, v2  }
0x48: {  	v3 =	vld [tilespmem:s16+$0x2030];
	_ =	sdelay $0x1  }
0x49: {  	v54 =	vld [tilespmem:s16+$0x30];
	_ =	sdelay $0x2  }
0x4a: {  	vm6 =	veq.s32 v3, v0  }
0x4b: {  	v3 =	vsel vm6, $0x3F800000, v1  }
0x4c: {  	v3 =	vsub.f32 v3, v54;
	_ =	sdelay $0x1  }
0x4d: {  	v3 =	vand.u32 $0x7FFFFFFF, v3  }
0x4e: {  	v3 =	vmul.f32 $8.192000000e+03, v3;
	_ =	sdelay $0x1  }
0x4f: {  	v3 =	vtrunc.f32 v3  }
0x50: {  	v3 =	vcvt.f32.s32 v3;
	_ =	sdelay $0x1  }
0x51: {  	vm7 =	vlt.s32 v3, $0x1FFF  }
0x52: {  	v3 =	vnsel vm7, $0x1FFF, v3  }
0x53: {  	v55 =	vadd.s32 $0x2000, v3  }
0x54: {  	v3 =	vsel vm6, v55, v3;
	_ =	sdelay $0x4  }
0x55: {  	[tilespmem:v3+s11+$0x0] =	vst.idx.add.f32.msk $0xffff, v2  }
0x56: {  	v3 =	vld [tilespmem:s16+$0x2040];
	_ =	sdelay $0x1  }
0x57: {  	v56 =	vld [tilespmem:s16+$0x40];
	_ =	sdelay $0x2  }
0x58: {  	vm8 =	veq.s32 v3, v0  }
0x59: {  	v3 =	vsel vm8, $0x3F800000, v1  }
0x5a: {  	v3 =	vsub.f32 v3, v56;
	_ =	sdelay $0x1  }
0x5b: {  	v3 =	vand.u32 $0x7FFFFFFF, v3  }
0x5c: {  	v3 =	vmul.f32 $8.192000000e+03, v3;
	_ =	sdelay $0x1  }
0x5d: {  	v3 =	vtrunc.f32 v3  }
0x5e: {  	v3 =	vcvt.f32.s32 v3;
	_ =	sdelay $0x1  }
0x5f: {  	vm9 =	vlt.s32 v3, $0x1FFF  }
0x60: {  	v3 =	vnsel vm9, $0x1FFF, v3  }
0x61: {  	v57 =	vadd.s32 $0x2000, v3  }
0x62: {  	v3 =	vsel vm8, v57, v3;
	_ =	sdelay $0x4  }
0x63: {  	[tilespmem:v3+s11+$0x0] =	vst.idx.add.f32.msk $0xffff, v2  }
0x64: {  	v3 =	vld [tilespmem:s16+$0x2050];
	_ =	sdelay $0x1  }
0x65: {  	v58 =	vld [tilespmem:s16+$0x50];
	_ =	sdelay $0x2  }
0x66: {  	vm10 =	veq.s32 v3, v0  }
0x67: {  	v3 =	vsel vm10, $0x3F800000, v1  }
0x68: {  	v3 =	vsub.f32 v3, v58;
	_ =	sdelay $0x1  }
0x69: {  	v3 =	vand.u32 $0x7FFFFFFF, v3  }
0x6a: {  	v3 =	vmul.f32 $8.192000000e+03, v3;
	_ =	sdelay $0x1  }
0x6b: {  	v3 =	vtrunc.f32 v3  }
0x6c: {  	v3 =	vcvt.f32.s32 v3;
	_ =	sdelay $0x1  }
0x6d: {  	vm11 =	vlt.s32 v3, $0x1FFF  }
0x6e: {  	v3 =	vnsel vm11, $0x1FFF, v3  }
0x6f: {  	v59 =	vadd.s32 $0x2000, v3  }
0x70: {  	v3 =	vsel vm10, v59, v3;
	_ =	sdelay $0x4  }
0x71: {  	[tilespmem:v3+s11+$0x0] =	vst.idx.add.f32.msk $0xffff, v2  }
0x72: {  	v3 =	vld [tilespmem:s16+$0x2060];
	_ =	sdelay $0x1  }
0x73: {  	v60 =	vld [tilespmem:s16+$0x60];
	_ =	sdelay $0x2  }
0x74: {  	vm12 =	veq.s32 v3, v0  }
0x75: {  	v3 =	vsel vm12, $0x3F800000, v1  }
0x76: {  	v3 =	vsub.f32 v3, v60;
	_ =	sdelay $0x1  }
0x77: {  	v3 =	vand.u32 $0x7FFFFFFF, v3  }
0x78: {  	v3 =	vmul.f32 $8.192000000e+03, v3;
	_ =	sdelay $0x1  }
0x79: {  	v3 =	vtrunc.f32 v3  }
0x7a: {  	v3 =	vcvt.f32.s32 v3;
	_ =	sdelay $0x1  }
0x7b: {  	vm13 =	vlt.s32 v3, $0x1FFF  }
0x7c: {  	v3 =	vnsel vm13, $0x1FFF, v3  }
0x7d: {  	v61 =	vadd.s32 $0x2000, v3  }
0x7e: {  	v3 =	vsel vm12, v61, v3;
	_ =	sdelay $0x4  }
0x7f: {  	[tilespmem:v3+s11+$0x0] =	vst.idx.add.f32.msk $0xffff, v2  }
0x80: {  	v3 =	vld [tilespmem:s16+$0x2070];
	_ =	sdelay $0x1  }
0x81: {  	v62 =	vld [tilespmem:s16+$0x70];
	_ =	sdelay $0x2  }
0x82: {  	vm14 =	veq.s32 v3, v0  }
0x83: {  	v3 =	vsel vm14, $0x3F800000, v1  }
0x84: {  	v3 =	vsub.f32 v3, v62;
	_ =	sdelay $0x1  }
0x85: {  	v3 =	vand.u32 $0x7FFFFFFF, v3  }
0x86: {  	v3 =	vmul.f32 $8.192000000e+03, v3;
	_ =	sdelay $0x1  }
0x87: {  	v3 =	vtrunc.f32 v3  }
0x88: {  	v3 =	vcvt.f32.s32 v3;
	_ =	sdelay $0x1  }
0x89: {  	vm15 =	vlt.s32 v3, $0x1FFF  }
0x8a: {  	v3 =	vnsel vm15, $0x1FFF, v3  }
0x8b: {  	v63 =	vadd.s32 $0x2000, v3  }
0x8c: {  	p0 =	sne.s32 s15, $0x7E00;
	v3 =	vsel vm14, v63, v3  }
.Ltmp1:
0x8d: {  	_ = 	snop;
	(pc) =	sbr.rel @p0 .LBB2_5-.Ltmp1, $2  }
0x8e: {  	_ =	sdelay $0x2  }
0x8f: {  	s15 =	sadd.s32 $0x200, s15;
	[tilespmem:v3+s11+$0x0] =	vst.idx.add.f32.msk $0xffff, v2  }
0x90: {  	s14 =	sadd.s32 $0x1, s14  }
0x91: {  	p0 =	sne.s32 s14, $0x20  }
.Ltmp2:
0x92: {  	_ = 	snop;
	(pc) =	sbr.rel @p0 .LBB2_4-.Ltmp2, $1  }
0x93: {  	_ =	sdelay $0x3  }
0x94: {  	s12 =	sadd.s32 $0x1, s12  }
0x95: {  	p0 =	sne.s32 s12, s8  }
.Ltmp3:
0x96: {  	_ = 	snop;
	(pc) =	sbr.rel @p0 .LBB2_1-.Ltmp3, $4  }
0x97: {  	[hbm4b:s7+s2] =	stream.linear.scatter [tilespmem:s11], [sflag:$0x1], $0x4000, $0x38;
	[tilespmem:$0x8000] =	vst v63  }
0x98: {  	_ =	swait.ge [sflag:s9], $0x4000  }
0x99: {  	[sflag:s9] =	ssyncset.done $0x0  }
0x9a: {  	[sflag:s9] =	ssyncadd.s32 $0xFFFFC000  }
0x9b: {  	_ =	sfence.sel $0x180000  }
0x9c: {  	[bflag:$0x0] =	sbarrier.arrive $0xFFFF  }
0x9d: {  	p0 =	sne.s32 s1, $0x0;
	_ =	strace $0x9000004A  }
0x9e: {  	s0 =	sadd.s32 @!p0 $0x100000, s0;
	[bflag:$0x2] =	sbarrier.arrive $0xFFFF  }
0x9f: {  	[sflag:s0] =	ssyncadd.tile.s32 @!p0 $0x1;
	_ =	shalt  }
.Lfunc_end2:
_tile_overlayer_lowered:
.L_overlay_start_2:
0xa0: {  	(tag) =	ssettag $0x2  }
0xa1: {  	s0 =	rddreg [dreg:$0x0];
	s2 =	stileid.u32  }
0xa2: {  	s1 =	rddreg [dreg:$0x1];
	p0 =	sne.s32 s2, $0x0  }
0xa3: {  	s3 =	rddreg [dreg:$0x2];
	[bflag:$0x3] =	sbarrier.arrive $0xFFFF;
	s2 =	simm.s32 @!p0 $0x1C01  }
0xa4: {  	[timem:s3], [sflag:s2] =	dma.local @!p0 [hbm:s0], s1  }
0xa5: {  	s0 =	simm.s32 @!p0 $0x1  }
0xa6: {  	_ =	swait.ge @!p0 [sflag:s0], s1  }
0xa7: {  	s1 =	ssub.s32 @!p0 $0x0, s1;
	[sflag:s0] =	ssyncset.done @!p0 $0x0  }
0xa8: {  	[sflag:s0] =	ssyncadd.s32 @!p0 s1  }
0xa9: {  	[bflag:$0x3] =	sbarrier.arrive $0xFFFF  }
0xaa: {  	_ =	shalt  }

// kernel: sparse-core-data-format-call.cloned.1.call-start
scs
called_computation_lowered:
.L_overlay_start_0:
0x0: {  	s2 =	sld [smem:$0x3FD9]  }
0x1: {  	s3 =	sld [smem:$0x3FFE];
	_ =	sdelay $0x1  }
0x2: {  	s1 =	srdreg.scid  }
0x3: {  	s0 =	sand.u32 $0x1, s1  }
0x4: {  	s18 =	sshll.u32 s0, $0xA;
	s2 =	sadd.s32 s3, s2  }
0x5: {  	s2 =	sadd.s32 s2, s18  }
0x6: {  	[smem:$0x3FC6] =	sst s2  }
0x7: {  	_ = 	snop  }
0x8: {  	s2 =	sld [smem:$0x3FC9];
	(tm) =	ssettm $0x1  }
0x9: {  	s19 =	sld [smem:$0x3FFB];
	_ =	sdelay $0x3  }
0xa: {  	_ =	strace s19  }
0xb: {  	s3 =	sld [smem:$0x3FFC];
	_ =	sdelay $0x3  }
0xc: {  	_ =	strace s3  }
0xd: {  	s3 =	sld [smem:$0x3FFD];
	_ =	sdelay $0x3  }
0xe: {  	_ =	strace s3  }
0xf: {  	_ =	strace $0x8FFFFFFF  }
0x10: {  	s20 =	sld [smem:$0x3FDB];
	_ =	sdelay $0x1  }
0x11: {  	s4 =	simm.s32 $_scs_section_size  }
0x12: {  	s5 =	simm.s32 $_size__tile_overlayer_lowered;
	s6 =	simm.s32 $_tile_overlayer_lowered  }
0x13: {  	s23 =	simm.s32 $0x1BFF;
	s22 =	sshll.u32 s6, $0x1;
	s3 =	sadd.s32 s4, s20  }
0x14: {  	s7 =	simm.s32 $0x0;
	s21 =	sshll.u32 s5, $0x1;
	s5 =	sadd.s32 s22, s3  }
0x15: {  	[timem:s7], [sflag:s23] =	dma.local [hbm:s5], s21  }
0x16: {  	_ =	swait.ge [sflag:s23], s21  }
0x17: {  	s4 =	ssub.s32 $0x0, s21;
	[sflag:s23] =	ssyncset.done $0x0  }
0x18: {  	[sflag:s23] =	ssyncadd.s32 s4;
	_ =	sdelay $0x1  }
0x19: {  	s24 =	simm.s32 $0x1B8B  }
0x1a: {  	_ =	swait.ge [sflag:s24], $0x1  }
0x1b: {  	[sflag:s24] =	ssyncset.done $0x0  }
0x1c: {  	s26 =	simm.s32 $0x1B8E;
	s25 =	sld [smem:$0x3FFE];
	[sflag:s24] =	ssyncadd.s32 $0xFFFFFFFF  }
0x1d: {  	s27 =	simm.s32 $execute0_lowered;
	[smem:$0x3FD2] =	sst s26  }
0x1e: {  	s5 =	sshll.u32 s27, $0x1;
	_ =	strace $0x80000046;
	[dreg:$0x1] =	wrdreg $0xFFFFFFFF  }
0x1f: {  	s28 =	simm.s32 $_size_execute0_lowered;
	s3 =	sadd.s32 s3, s5;
	[dreg:$0x0] =	wrdreg $0x0  }
0x20: {  	s5 =	sshll.u32 s28, $0x1;
	[dreg:$0x2] =	wrdreg s3  }
0x21: {  	[dreg:$0x3] =	wrdreg s5  }
0x22: {  	[dreg:$0x4] =	wrdreg $0xC0  }
0x23: {  	_ =	task [dreg:s7], $0x5FFFF  }
0x24: {  	[dreg:$0x1] =	wrdreg $0xFFFFFFFF  }
0x25: {  	[dreg:$0x0] =	wrdreg $0x60  }
0x26: {  	[dreg:$0x2] =	wrdreg s2  }
0x27: {  	[dreg:$0x3] =	wrdreg s25  }
0x28: {  	[dreg:$0x4] =	wrdreg $0x9  }
0x29: {  	_ =	task.clear_ibuf [dreg:s7], $0x5FFFF;
	_ =	strace $0x90000046  }
0x2a: {  	s29 =	simm.s32 $0x9;
	_ =	strace $0x80000048  }
0x2b: {  	_ =	swait.ge [sflag:s29], $0x1  }
0x2c: {  	[sflag:s29] =	ssyncadd.s32 $0xFFFFFFFF  }
0x2d: {  	_ =	strace $0x90000048  }
0x2e: {  	_ =	sfence  }
0x2f: {  	s30 =	sld [smem:$0x0];
	_ =	sdelay $0x2  }
0x30: {  	s31 =	sshll.u32 s1, $0xD;
	s1 =	sshrl.u32 s1, $0x2  }
0x31: {  	s3 =	sand.u32 $0x4000, s31;
	s1 =	sadd.s32 s1, s30  }
0x32: {  	s0 =	sor.u32 s3, s0;
	s1 =	sshll.u32 s1, $0x11  }
0x33: {  	s0 =	sor.u32 s1, s0  }
0x34: {  	s0 =	sadd.s32 $0x8F2B, s0  }
0x35: {  	[sflag:s0] =	ssyncadd.remote.s32 $0x1  }
0x36: {  	_ =	sfence.sel $0xFFFF  }
0x37: {  	[dreg:$0x0] =	wrdreg $0xFFFFFFFF;
	(pc) =	sbr.abs _section_cstart, $3  }
0x38: {  	[dreg:$0x1] =	wrdreg $0xFFFFFFFF  }
0x39: {  	_ =	task.clear_ibuf [dreg:s7], $0x2FFFF;
	_ =	strace $0x9FFFFFFF  }
0x3a: {  	(tm) =	ssettm $0x7FFFFFFF  }
0x3b: {  	_ =	shalt  }
tec
execute0_lowered:
.L_overlay_start_1:
0x0: {  	(tag) =	ssettag $0x1  }
0x1: {  	s0 =	srdreg.scid  }
0x2: {  	s1 =	sshll.u32 s0, $0x4  }
0x3: {  	s2 =	rddreg [dreg:$0x0];
	s0 =	stileid.u32;
	s1 =	sand.u32 $0x10, s1  }
0x4: {  	s4 =	rddreg [dreg:$0x1];
	s7 =	simm.s32 $0x1;
	s1 =	sor.u32 s0, s1  }
0x5: {  	s8 =	simm.s32 $0x2;
	s9 =	simm.s32 $0x0;
	s3 =	sshll.u32 s1, $0x2  }
0x6: {  	s12 =	simm.s32 $0x0;
	s11 =	simm.s32 $0x0;
	s6 =	ssub.s32 $0x800, s3  }
.Ltmp0:
0x7: {  	s4 =	sadd.s32 $0xA00, s4;
	s5 =	sand.u32 $0x7C, s6;
	(pc) =	sbr.rel .LBB1_1-.Ltmp0, $4  }
0x8: {  	s1 =	rddreg [dreg:$0x2];
	_ =	strace $0x80000047;
	p0 =	sne.s32 s5, $0x0  }
0x9: {  	s6 =	sshrl.u32 s6, $0x7;
	s5 =	simm.s32 $0x1;
	s7 =	simm.s32 @!p0 $0x0  }
0xa: {  	s10 =	smov.u32 s3;
	[sflag:s5] =	ssyncpa.u1 $0x0;
	s6 =	sadd.s32 s7, s6  }
0xb: {  	[sflag:s8] =	ssyncpa.u1 $0x0;
	s8 =	simm.s32 $0x0;
	s7 =	sadd.s32 $0x1, s6  }
.LBB1_9:
0xc: {  	s14 =	sadd.s32 $0x80, s10  }
0xd: {  	p1 =	sgt.s32 s14, $0x7FF  }
0xe: {  	s14 =	smov.u32 @p1 s3;
	p1 =	sne.s32 s11, s7  }
.Ltmp1:
0xf: {  	p0 =	slt.u32 s11, $0x2;
	(pc) =	sbr.rel @!p1 .LBB1_10-.Ltmp1, $4  }
0x10: {  	s13 =	simm.s32 @!p0 $0x2  }
0x11: {  	s15 =	sadd.s32 $0x1, s11;
	_ =	swait.ge @!p0 [sflag:s13], $0x4000  }
0x12: {  	s12 =	smov.u32 s10;
	s9 =	sadd.s32 $0x4000, s9;
	[sflag:s13] =	ssyncset.done @!p0 $0x0  }
0x13: {  	s11 =	smov.u32 s15;
	s10 =	smov.u32 s14;
	[sflag:s13] =	ssyncadd.s32 @!p0 $0xFFFFC000  }
.LBB1_1:
0x14: {  	p0 =	sge.u32 s11, s6  }
0x15: {  	s13 =	sxor.u32 @!p0 $0xFFFFFFFF, s11  }
0x16: {  	s31 =	sadd.s32 $0xFFFFFFFF, s11;
	s14 =	sshll.u32 @!p0 s10, $0x9;
	s13 =	sshll.u32 @!p0 s13, $0xE  }
0x17: {  	s15 =	simm.s32 @!p0 $0x0;
	s14 =	sadd.s32 @!p0 s2, s14;
	s13 =	sand.u32 @!p0 $0x4000, s13  }
0x18: {  	[tilespmem:s13], [sflag:$0x1] =	stream.linear.gather @!p0 [hbm4b:s14+s15], $0x4000, $0x38;
	[tilespmem:$0x10000] =	vst v63  }
0x19: {  	p0 =	sge.u32 s31, s6  }
.Ltmp2:
0x1a: {  	_ = 	snop;
	(pc) =	sbr.rel @p0 .LBB1_9-.Ltmp2, $1  }
0x1b: {  	_ =	sdelay $0x3  }
0x1c: {  	s14 =	sand.u32 $0x4000, s9  }
0x1d: {  	_ =	swait.ge [sflag:s5], $0x4000;
	s15 =	sshll.u32 s11, $0xE;
	s16 =	simm.s32 $0x0  }
0x1e: {  	s13 =	sor.u32 $0x40, s14;
	[sflag:s5] =	ssyncset.done $0x0;
	s15 =	sand.u32 $0x4000, s15  }
0x1f: {  	s14 =	sor.u32 $0x8040, s14;
	[sflag:s5] =	ssyncadd.s32 $0xFFFFC000;
	s15 =	sor.u32 $0x8000, s15  }
.LBB1_3:
0x20: {  	s17 =	smov.u32 s14;
	s18 =	smov.u32 s13;
	s19 =	simm.s32 $0x0  }
.LBB1_4:
0x21: {  	v0 =	vmov s17;
	v2 =	vld [tilespmem:s18+$0x30]  }
0x22: {  	v4 =	vld [tilespmem:s18+$0xFFFFFFD0]  }
0x23: {  	v6 =	vld [tilespmem:s18+$0xFFFFFFE0]  }
0x24: {  	v7 =	vld [tilespmem:s18+$0xFFFFFFF0]  }
0x25: {  	s20 =	simm.s32 $0x0;
	v1 =	vld [tilespmem:s18+$0x0]  }
0x26: {  	v3 =	vld [tilespmem:s18+$0x10];
	[tilespmem:v0+s20+$0x30 ss:$0x1] =	vst.idx.msk $0xffff, v2  }
0x27: {  	v5 =	vld [tilespmem:s18+$0x20];
	[tilespmem:v0+s20+$0xFFFFFFD0 ss:$0x1] =	vst.idx.msk $0xffff, v4  }
0x28: {  	s21 =	sadd.s32 $0x80, s18;
	v2 =	vld [tilespmem:s18+$0xFFFFFFC0];
	[tilespmem:v0+s20+$0xFFFFFFE0 ss:$0x1] =	vst.idx.msk $0xffff, v6  }
0x29: {  	s22 =	simm.s32 $0x800;
	s23 =	simm.s32 $0x1000;
	v4 =	vld [tilespmem:s21+$0x30];
	[tilespmem:v0+s20+$0xFFFFFFF0 ss:$0x1] =	vst.idx.msk $0xffff, v7  }
.LBB1_5:
0x2a: {  	p0 =	sne.s32 s23, $0x3800;
	v6 =	vld [tilespmem:s21+$0xFFFFFFD0];
	[tilespmem:v0+s20+$0x0 ss:$0x1] =	vst.idx.msk $0xffff, v1  }
0x2b: {  	v7 =	vld [tilespmem:s21+$0xFFFFFFE0];
	[tilespmem:v0+s20+$0x10 ss:$0x1] =	vst.idx.msk $0xffff, v3  }
0x2c: {  	v8 =	vld [tilespmem:s21+$0xFFFFFFF0];
	[tilespmem:v0+s20+$0x20 ss:$0x1] =	vst.idx.msk $0xffff, v5  }
.Ltmp3:
0x2d: {  	v1 =	vld [tilespmem:s21+$0x0];
	[tilespmem:v0+s20+$0xFFFFFFC0 ss:$0x1] =	vst.idx.msk $0xffff, v2;
	s20 =	sshra.s32 s22, $0x2;
	s22 =	smov.u32 s23;
	(pc) =	sbr.rel @p0 .LBB1_5-.Ltmp3, $4  }
0x2e: {  	v3 =	vld [tilespmem:s21+$0x10];
	[tilespmem:v0+s20+$0x30 ss:$0x1] =	vst.idx.msk $0xffff, v4  }
0x2f: {  	[tilespmem:v0+s20+$0xFFFFFFD0 ss:$0x1] =	vst.idx.msk $0xffff, v6;
	v5 =	vld [tilespmem:s21+$0x20]  }
0x30: {  	v2 =	vld [tilespmem:s21+$0xFFFFFFC0];
	[tilespmem:v0+s20+$0xFFFFFFE0 ss:$0x1] =	vst.idx.msk $0xffff, v7;
	s21 =	sadd.s32 $0x80, s21  }
0x31: {  	s23 =	sadd.s32 $0x800, s23;
	v4 =	vld [tilespmem:s21+$0x30];
	[tilespmem:v0+s20+$0xFFFFFFF0 ss:$0x1] =	vst.idx.msk $0xffff, v8  }
0x32: {  	_ =	sdelay $0x3  }
0x33: {  	v6 =	vld [tilespmem:s21+$0xFFFFFFD0];
	[tilespmem:v0+s20+$0x0 ss:$0x1] =	vst.idx.msk $0xffff, v1  }
0x34: {  	v58 =	vld [tilespmem:s21+$0xFFFFFFE0];
	[tilespmem:v0+s20+$0x10 ss:$0x1] =	vst.idx.msk $0xffff, v3  }
0x35: {  	v59 =	vld [tilespmem:s21+$0xFFFFFFF0];
	[tilespmem:v0+s20+$0x20 ss:$0x1] =	vst.idx.msk $0xffff, v5  }
0x36: {  	s22 =	sshra.s32 s22, $0x2;
	v60 =	vld [tilespmem:s21+$0x0];
	[tilespmem:v0+s20+$0xFFFFFFC0 ss:$0x1] =	vst.idx.msk $0xffff, v2  }
0x37: {  	v61 =	vld [tilespmem:s21+$0x10];
	[tilespmem:v0+s22+$0x30 ss:$0x1] =	vst.idx.msk $0xffff, v4  }
0x38: {  	v62 =	vld [tilespmem:s21+$0x20];
	s19 =	sadd.s32 $0x1, s19;
	[tilespmem:v0+s22+$0xFFFFFFD0 ss:$0x1] =	vst.idx.msk $0xffff, v6  }
0x39: {  	v63 =	vld [tilespmem:s21+$0xFFFFFFC0];
	p0 =	sne.s32 s19, $0x4;
	[tilespmem:v0+s22+$0xFFFFFFE0 ss:$0x1] =	vst.idx.msk $0xffff, v58  }
.Ltmp4:
0x3a: {  	[tilespmem:v0+s22+$0xFFFFFFF0 ss:$0x1] =	vst.idx.msk $0xffff, v59;
	(pc) =	sbr.rel @p0 .LBB1_4-.Ltmp4, $4  }
0x3b: {  	[tilespmem:v0+s22+$0x0 ss:$0x1] =	vst.idx.msk $0xffff, v60  }
0x3c: {  	[tilespmem:v0+s22+$0x10 ss:$0x1] =	vst.idx.msk $0xffff, v61  }
0x3d: {  	[tilespmem:v0+s22+$0x20 ss:$0x1] =	vst.idx.msk $0xffff, v62  }
0x3e: {  	s18 =	sadd.s32 $0x400, s18;
	s17 =	sadd.s32 $0x80, s17;
	[tilespmem:v0+s22+$0xFFFFFFC0 ss:$0x1] =	vst.idx.msk $0xffff, v63  }
0x3f: {  	s16 =	sadd.s32 $0x1, s16  }
0x40: {  	p0 =	sne.s32 s16, $0x4  }
.Ltmp5:
0x41: {  	_ = 	snop;
	(pc) =	sbr.rel @p0 .LBB1_3-.Ltmp5, $2  }
0x42: {  	_ =	sdelay $0x2  }
0x43: {  	s13 =	sadd.s32 $0x1000, s13;
	s14 =	sadd.s32 $0x1000, s14  }
.Ltmp6:
0x44: {  	(pc) =	sbr.rel .LBB1_9-.Ltmp6, $4  }
0x45: {  	_ = 	snop  }
0x46: {  	s12 =	sshll.u32 s12, $0x9  }
0x47: {  	s12 =	sadd.s32 s4, s12  }
0x48: {  	[hbm4b:s12+s8] =	stream.linear.scatter [tilespmem:s15], [sflag:$0x2], $0x4000, $0x38;
	[tilespmem:$0x10000] =	vst v63  }
.LBB1_10:
0x49: {  	_ =	sfence.sel $0x180000  }
0x4a: {  	s2 =	simm.s32 $0x1;
	[bflag:$0x0] =	sbarrier.arrive $0xFFFF  }
0x4b: {  	s31 =	simm.s32 $0x2;
	[sflag:s2] =	ssyncpa.u1 $0x1  }
0x4c: {  	[sflag:s31] =	ssyncpa.u1 $0x1  }
0x4d: {  	p0 =	sne.s32 s0, $0x0;
	_ =	strace $0x90000047  }
0x4e: {  	s0 =	sadd.s32 @!p0 $0x100000, s1;
	[bflag:$0x2] =	sbarrier.arrive $0xFFFF  }
0x4f: {  	[sflag:s0] =	ssyncadd.tile.s32 @!p0 $0x1;
	_ =	shalt  }
.Lfunc_end1:
_tile_overlayer_lowered:
.L_overlay_start_2:
0x50: {  	(tag) =	ssettag $0x2  }
0x51: {  	s0 =	rddreg [dreg:$0x0];
	s2 =	stileid.u32  }
0x52: {  	s1 =	rddreg [dreg:$0x1];
	p0 =	sne.s32 s2, $0x0  }
0x53: {  	s3 =	rddreg [dreg:$0x2];
	[bflag:$0x3] =	sbarrier.arrive $0xFFFF;
	s2 =	simm.s32 @!p0 $0x1C01  }
0x54: {  	[timem:s3], [sflag:s2] =	dma.local @!p0 [hbm:s0], s1  }
0x55: {  	s0 =	simm.s32 @!p0 $0x1  }
0x56: {  	_ =	swait.ge @!p0 [sflag:s0], s1  }
0x57: {  	s1 =	ssub.s32 @!p0 $0x0, s1;
	[sflag:s0] =	ssyncset.done @!p0 $0x0  }
0x58: {  	[sflag:s0] =	ssyncadd.s32 @!p0 s1  }
0x59: {  	[bflag:$0x3] =	sbarrier.arrive $0xFFFF  }
0x5a: {  	_ =	shalt  }

</sc_bundles>
